<compile_context>
chip_gen: v7x
topology: tpu7x:2x2x1
jax: 0.10.2.dev20260603
libtpu: 0.0.44.dev20260713+nightly
codegen_flags: <defaults>
</compile_context>

<pallas_src>
import functools

import jax
import jax.numpy as jnp
from jax import lax
from jax.experimental import pallas as pl
from jax.experimental.pallas import tpu as pltpu
from jax.experimental.pallas import tpu_sc as plsc

VOCAB = 1000000
EMBED_DIM = 64
BATCH = 16384
HIST = 50
HIST_PAD = 56
ROW_PAD = 128

_info = plsc.get_sparse_core_info()
NC = _info.num_cores
NS = _info.num_subcores
NW = NC * NS
ROWS_PER_W = BATCH // NW

GROUP = 8
NBUF = 2
STEPS = ROWS_PER_W // GROUP
OUTER = STEPS // NBUF


@functools.partial(
    pl.kernel,
    mesh=plsc.VectorSubcoreMesh(core_axis_name="c", subcore_axis_name="s"),
    out_type=jax.ShapeDtypeStruct((BATCH, HIST_PAD, ROW_PAD), jnp.float32),
    scratch_types=[
        pltpu.VMEM((ROWS_PER_W, HIST), jnp.int32),
        pltpu.VMEM((NBUF, GROUP, HIST, EMBED_DIM), jnp.float32),
        pltpu.SemaphoreType.DMA,
        pltpu.SemaphoreType.DMA,
        pltpu.SemaphoreType.DMA,
        pltpu.SemaphoreType.DMA,
    ],
    compiler_params=pltpu.CompilerParams(use_tc_tiling_on_sc=False),
)
def _gather_sc(x_hbm, table_hbm, out_hbm, idx_v, rows_v, g0, g1, o0, o1):
    gsem = [g0, g1]
    osem = [o0, o1]
    wid = lax.axis_index("s") * NC + lax.axis_index("c")
    base = wid * ROWS_PER_W
    pltpu.sync_copy(x_hbm.at[pl.ds(base, ROWS_PER_W)], idx_v)

    def issue_gathers(b, row0):
        for i in range(GROUP):
            pltpu.async_copy(
                table_hbm.at[idx_v.at[row0 + i]],
                rows_v.at[b, i],
                gsem[b],
            )

    def drain_gathers(b, row0):
        for i in range(GROUP):
            pltpu.make_async_copy(
                table_hbm.at[idx_v.at[row0 + i]],
                rows_v.at[b, i],
                gsem[b],
            ).wait()

    def out_copy(b, row0):
        return pltpu.make_async_copy(
            rows_v.at[b],
            out_hbm.at[
                pl.ds(base + row0, GROUP), pl.ds(0, HIST), pl.ds(0, EMBED_DIM)
            ],
            osem[b],
        )

    def step(s, carry):
        rows = [(s * NBUF + b) * GROUP for b in range(NBUF)]
        for b in range(NBUF):
            @pl.when(s > 0)
            def _():
                out_copy(b, rows[b]).wait()

            issue_gathers(b, rows[b])
        for b in range(NBUF):
            drain_gathers(b, rows[b])
            out_copy(b, rows[b]).start()
        return carry

    lax.fori_loop(0, OUTER, step, 0)
    for b in range(NBUF):
        out_copy(b, (STEPS - NBUF + b) * GROUP).wait()


def kernel(x, table):
    y = _gather_sc(x, table)
    return y[:, :HIST, :EMBED_DIM]

# --- scband reference (transcript-rebuilt; emitter-appended) ---
"""Pipeline reference for scband-embedding-48112223649991 (READ-ONLY COPY).

The authoritative reference and input builder live on the scoring server;
editing this copy changes nothing except your own understanding.
"""

import jax, jax.numpy as jnp
import numpy as np

VOCAB = 1000000
EMBED_DIM = 64
BATCH = 16384
HIST = 50


def setup_inputs(seed: int = 0) -> dict:
    key = jax.random.key(seed)
    k1, k2 = jax.random.split(key)
    x = jax.random.randint(k1, (BATCH, HIST), 0, VOCAB, dtype=jnp.int32)
    # nn.Embedding default init: N(0, 1)
    table = jax.random.normal(k2, (VOCAB, EMBED_DIM), dtype=jnp.float32)
    return {"x": x, "table": table}


def reference(x, table):
    # out = self.embed(x) -> gather rows of the embedding table
    out = jnp.take(table, x, axis=0)
    return out

if __name__ == "__main__":
    import jax
    _d = setup_inputs()
    print(jax.jit(kernel)(*tuple(_d.values())))

</pallas_src>

<mosaic_0001>
#map = affine_map<(d0, d1) -> (0, 0)>
#map1 = affine_map<(d0, d1) -> (0, 0, 0)>
module attributes {stable_mosaic.version = 14 : i64} {
  func.func @_gather_sc(%arg0: i32, %arg1: i32, %arg2: memref<16384x50xi32, #tpu.memory_space<hbm>>, %arg3: memref<1000000x64xf32, #tpu.memory_space<hbm>>, %arg4: memref<16384x56x128xf32, #tpu.memory_space<hbm>>, %arg5: memref<512x50xi32, #tpu.memory_space<vmem>>, %arg6: memref<2x8x50x64xf32, #tpu.memory_space<vmem>>, %arg7: memref<!tpu.dma_semaphore, #tpu.memory_space<semaphore_mem>>, %arg8: memref<!tpu.dma_semaphore, #tpu.memory_space<semaphore_mem>>, %arg9: memref<!tpu.dma_semaphore, #tpu.memory_space<semaphore_mem>>, %arg10: memref<!tpu.dma_semaphore, #tpu.memory_space<semaphore_mem>>) attributes {dimension_semantics = [#tpu.dimension_semantics<core_parallel>, #tpu.dimension_semantics<subcore_parallel>], iteration_bounds = array<i64: 2, 16>, scalar_prefetch = 0 : i64, scratch_operands = 6 : i64, tpu.core_type = #tpu.core_type<sc_vector_subcore>, window_params = [{transform_indices = #map}, {transform_indices = #map}, {transform_indices = #map1}]} {
    %mul3A = arith.constant 2 : i32
    %mul3A_0 = arith.muli %arg1, %mul3A : i32
    %add3A = arith.addi %mul3A_0, %arg0 : i32
    %mul3A_1 = arith.constant 512 : i32
    %mul3A_2 = arith.muli %add3A, %mul3A_1 : i32
    "tpu.region"() ({
      %run_scoped3A = tpu.sem_alloc : memref<!tpu.dma_semaphore, #tpu.memory_space<semaphore_mem>>
      %dma_start3A = arith.constant 0 : i32
      %dma_start3A_45 = tpu.memref_slice %arg2[%mul3A_2, %dma_start3A] : memref<16384x50xi32, #tpu.memory_space<hbm>> -> memref<512x50xi32, #tpu.memory_space<hbm>>
      %dma_start3A_46 = arith.constant 0 : i32
      %dma_start3A_47 = tpu.memref_slice %arg2[%mul3A_2, %dma_start3A_46] : memref<16384x50xi32, #tpu.memory_space<hbm>> -> memref<512x50xi32, #tpu.memory_space<hbm>>
      tpu.enqueue_dma source(%dma_start3A_47 : memref<512x50xi32, #tpu.memory_space<hbm>>) target(%arg5 : memref<512x50xi32, #tpu.memory_space<vmem>>) target_semaphore(%run_scoped3A : memref<!tpu.dma_semaphore, #tpu.memory_space<semaphore_mem>>)
      %dma_wait3A_48 = arith.constant 0 : i32
      %dma_wait3A_49 = tpu.memref_slice %arg2[%mul3A_2, %dma_wait3A_48] : memref<16384x50xi32, #tpu.memory_space<hbm>> -> memref<512x50xi32, #tpu.memory_space<hbm>>
      %dma_wait3A_50 = arith.constant 0 : i32
      %dma_wait3A_51 = tpu.memref_slice %arg2[%mul3A_2, %dma_wait3A_50] : memref<16384x50xi32, #tpu.memory_space<hbm>> -> memref<512x50xi32, #tpu.memory_space<hbm>>
      tpu.wait_dma2 semaphore(%run_scoped3A : memref<!tpu.dma_semaphore, #tpu.memory_space<semaphore_mem>>) src(%dma_wait3A_51 : memref<512x50xi32, #tpu.memory_space<hbm>>) dst(%arg5 : memref<512x50xi32, #tpu.memory_space<vmem>>)
      tpu.yield
    }) : () -> ()
    %scan3A = arith.constant 0 : i32
    %scan3A_3 = arith.constant 0 : i32
    %scan3A_4 = arith.constant 32 : i32
    %scan3A_5 = arith.addi %scan3A_3, %scan3A_4 : i32
    %scan3A_6 = arith.constant 1 : i32
    scf.for %scan3A_45 = %scan3A_3 to %scan3A_5 step %scan3A_6  : i32 {
      %mul3A_46 = arith.constant 2 : i32
      %mul3A_47 = arith.muli %scan3A_45, %mul3A_46 : i32
      %add3A_48 = arith.constant 0 : i32
      %add3A_49 = arith.addi %mul3A_47, %add3A_48 : i32
      %mul3A_50 = arith.constant 8 : i32
      %mul3A_51 = arith.muli %add3A_49, %mul3A_50 : i32
      %mul3A_52 = arith.constant 2 : i32
      %mul3A_53 = arith.muli %scan3A_45, %mul3A_52 : i32
      %add3A_54 = arith.constant 1 : i32
      %add3A_55 = arith.addi %mul3A_53, %add3A_54 : i32
      %mul3A_56 = arith.constant 8 : i32
      %mul3A_57 = arith.muli %add3A_55, %mul3A_56 : i32
      %gt3A = arith.constant 0 : i32
      %gt3A_58 = arith.cmpi sgt, %scan3A_45, %gt3A : i32
      %convert_element_type3A = arith.extui %gt3A_58 : i1 to i32
      %cond3A = arith.constant 0 : i32
      %cond3A_59 = arith.cmpi ne, %convert_element_type3A, %cond3A : i32
      scf.if %cond3A_59 {
        %add3A_548 = arith.addi %mul3A_2, %mul3A_51 : i32
        %dma_wait3A_549 = arith.constant 0 : i32
        %dma_wait3A_550 = arith.constant 0 : i32
        %dma_wait3A_551 = arith.constant 0 : i32
        %dma_wait3A_552 = arith.constant 0 : i32
        %dma_wait3A_553 = tpu.memref_slice %arg6[%dma_wait3A_549, %dma_wait3A_550, %dma_wait3A_551, %dma_wait3A_552] : memref<2x8x50x64xf32, #tpu.memory_space<vmem>> -> memref<1x8x50x64xf32, #tpu.memory_space<vmem>>
        %dma_wait3A_554 = tpu.memref_squeeze %dma_wait3A_553 : memref<1x8x50x64xf32, #tpu.memory_space<vmem>> -> memref<8x50x64xf32, #tpu.memory_space<vmem>>
        %dma_wait3A_555 = arith.constant 0 : i32
        %dma_wait3A_556 = arith.constant 0 : i32
        %dma_wait3A_557 = tpu.memref_slice %arg4[%add3A_548, %dma_wait3A_555, %dma_wait3A_556] : memref<16384x56x128xf32, #tpu.memory_space<hbm>> -> memref<8x50x64xf32, #tpu.memory_space<hbm>>
        %dma_wait3A_558 = arith.constant 0 : i32
        %dma_wait3A_559 = arith.constant 0 : i32
        %dma_wait3A_560 = tpu.memref_slice %arg4[%add3A_548, %dma_wait3A_558, %dma_wait3A_559] : memref<16384x56x128xf32, #tpu.memory_space<hbm>> -> memref<8x50x64xf32, #tpu.memory_space<hbm>>
        %dma_wait3A_561 = arith.constant 0 : i32
        %dma_wait3A_562 = arith.constant 0 : i32
        %dma_wait3A_563 = arith.constant 0 : i32
        %dma_wait3A_564 = tpu.memref_slice %arg6[%dma_wait3A_549, %dma_wait3A_561, %dma_wait3A_562, %dma_wait3A_563] : memref<2x8x50x64xf32, #tpu.memory_space<vmem>> -> memref<1x8x50x64xf32, #tpu.memory_space<vmem>>
        %dma_wait3A_565 = tpu.memref_squeeze %dma_wait3A_564 : memref<1x8x50x64xf32, #tpu.memory_space<vmem>> -> memref<8x50x64xf32, #tpu.memory_space<vmem>>
        tpu.wait_dma2 semaphore(%arg9 : memref<!tpu.dma_semaphore, #tpu.memory_space<semaphore_mem>>) src(%dma_wait3A_565 : memref<8x50x64xf32, #tpu.memory_space<vmem>>) dst(%dma_wait3A_560 : memref<8x50x64xf32, #tpu.memory_space<hbm>>)
      } else {
      }
      %add3A_60 = arith.constant 0 : i32
      %add3A_61 = arith.addi %mul3A_51, %add3A_60 : i32
      %dma_start3A = arith.constant 0 : i32
      %dma_start3A_62 = arith.constant 0 : i32
      %dma_start3A_63 = arith.constant 0 : i32
      %dma_start3A_64 = arith.constant 0 : i32
      %dma_start3A_65 = tpu.memref_slice %arg6[%dma_start3A, %dma_start3A_62, %dma_start3A_63, %dma_start3A_64] : memref<2x8x50x64xf32, #tpu.memory_space<vmem>> -> memref<1x1x50x64xf32, #tpu.memory_space<vmem>>
      %dma_start3A_66 = tpu.memref_squeeze %dma_start3A_65 : memref<1x1x50x64xf32, #tpu.memory_space<vmem>> -> memref<50x64xf32, #tpu.memory_space<vmem>>
      %dma_start3A_67 = arith.constant 0 : i32
      %dma_start3A_68 = tpu.memref_slice %arg5[%add3A_61, %dma_start3A_67] : memref<512x50xi32, #tpu.memory_space<vmem>> -> memref<1x50xi32, #tpu.memory_space<vmem>>
      %dma_start3A_69 = tpu.memref_squeeze %dma_start3A_68 : memref<1x50xi32, #tpu.memory_space<vmem>> -> memref<50xi32, #tpu.memory_space<vmem>>
      %dma_start3A_70 = arith.constant 0 : i32
      %dma_start3A_71 = arith.constant 0 : i32
      %dma_start3A_72 = tpu.memref_slice %arg3[%dma_start3A_70, %dma_start3A_71] : memref<1000000x64xf32, #tpu.memory_space<hbm>> -> memref<1000000x64xf32, #tpu.memory_space<hbm>>
      tpu.enqueue_indirect_dma source(%dma_start3A_72 : memref<1000000x64xf32, #tpu.memory_space<hbm>>) target(%dma_start3A_66 : memref<50x64xf32, #tpu.memory_space<vmem>>) offsets(%dma_start3A_69 : memref<50xi32, #tpu.memory_space<vmem>>) semaphore(%arg7 : memref<!tpu.dma_semaphore, #tpu.memory_space<semaphore_mem>>)
      %add3A_73 = arith.constant 1 : i32
      %add3A_74 = arith.addi %mul3A_51, %add3A_73 : i32
      %dma_start3A_75 = arith.constant 0 : i32
      %dma_start3A_76 = arith.constant 1 : i32
      %dma_start3A_77 = arith.constant 0 : i32
      %dma_start3A_78 = arith.constant 0 : i32
      %dma_start3A_79 = tpu.memref_slice %arg6[%dma_start3A_75, %dma_start3A_76, %dma_start3A_77, %dma_start3A_78] : memref<2x8x50x64xf32, #tpu.memory_space<vmem>> -> memref<1x1x50x64xf32, #tpu.memory_space<vmem>>
      %dma_start3A_80 = tpu.memref_squeeze %dma_start3A_79 : memref<1x1x50x64xf32, #tpu.memory_space<vmem>> -> memref<50x64xf32, #tpu.memory_space<vmem>>
      %dma_start3A_81 = arith.constant 0 : i32
      %dma_start3A_82 = tpu.memref_slice %arg5[%add3A_74, %dma_start3A_81] : memref<512x50xi32, #tpu.memory_space<vmem>> -> memref<1x50xi32, #tpu.memory_space<vmem>>
      %dma_start3A_83 = tpu.memref_squeeze %dma_start3A_82 : memref<1x50xi32, #tpu.memory_space<vmem>> -> memref<50xi32, #tpu.memory_space<vmem>>
      %dma_start3A_84 = arith.constant 0 : i32
      %dma_start3A_85 = arith.constant 0 : i32
      %dma_start3A_86 = tpu.memref_slice %arg3[%dma_start3A_84, %dma_start3A_85] : memref<1000000x64xf32, #tpu.memory_space<hbm>> -> memref<1000000x64xf32, #tpu.memory_space<hbm>>
      tpu.enqueue_indirect_dma source(%dma_start3A_86 : memref<1000000x64xf32, #tpu.memory_space<hbm>>) target(%dma_start3A_80 : memref<50x64xf32, #tpu.memory_space<vmem>>) offsets(%dma_start3A_83 : memref<50xi32, #tpu.memory_space<vmem>>) semaphore(%arg7 : memref<!tpu.dma_semaphore, #tpu.memory_space<semaphore_mem>>)
      %add3A_87 = arith.constant 2 : i32
      %add3A_88 = arith.addi %mul3A_51, %add3A_87 : i32
      %dma_start3A_89 = arith.constant 0 : i32
      %dma_start3A_90 = arith.constant 2 : i32
      %dma_start3A_91 = arith.constant 0 : i32
      %dma_start3A_92 = arith.constant 0 : i32
      %dma_start3A_93 = tpu.memref_slice %arg6[%dma_start3A_89, %dma_start3A_90, %dma_start3A_91, %dma_start3A_92] : memref<2x8x50x64xf32, #tpu.memory_space<vmem>> -> memref<1x1x50x64xf32, #tpu.memory_space<vmem>>
      %dma_start3A_94 = tpu.memref_squeeze %dma_start3A_93 : memref<1x1x50x64xf32, #tpu.memory_space<vmem>> -> memref<50x64xf32, #tpu.memory_space<vmem>>
      %dma_start3A_95 = arith.constant 0 : i32
      %dma_start3A_96 = tpu.memref_slice %arg5[%add3A_88, %dma_start3A_95] : memref<512x50xi32, #tpu.memory_space<vmem>> -> memref<1x50xi32, #tpu.memory_space<vmem>>
      %dma_start3A_97 = tpu.memref_squeeze %dma_start3A_96 : memref<1x50xi32, #tpu.memory_space<vmem>> -> memref<50xi32, #tpu.memory_space<vmem>>
      %dma_start3A_98 = arith.constant 0 : i32
      %dma_start3A_99 = arith.constant 0 : i32
      %dma_start3A_100 = tpu.memref_slice %arg3[%dma_start3A_98, %dma_start3A_99] : memref<1000000x64xf32, #tpu.memory_space<hbm>> -> memref<1000000x64xf32, #tpu.memory_space<hbm>>
      tpu.enqueue_indirect_dma source(%dma_start3A_100 : memref<1000000x64xf32, #tpu.memory_space<hbm>>) target(%dma_start3A_94 : memref<50x64xf32, #tpu.memory_space<vmem>>) offsets(%dma_start3A_97 : memref<50xi32, #tpu.memory_space<vmem>>) semaphore(%arg7 : memref<!tpu.dma_semaphore, #tpu.memory_space<semaphore_mem>>)
      %add3A_101 = arith.constant 3 : i32
      %add3A_102 = arith.addi %mul3A_51, %add3A_101 : i32
      %dma_start3A_103 = arith.constant 0 : i32
      %dma_start3A_104 = arith.constant 3 : i32
      %dma_start3A_105 = arith.constant 0 : i32
      %dma_start3A_106 = arith.constant 0 : i32
      %dma_start3A_107 = tpu.memref_slice %arg6[%dma_start3A_103, %dma_start3A_104, %dma_start3A_105, %dma_start3A_106] : memref<2x8x50x64xf32, #tpu.memory_space<vmem>> -> memref<1x1x50x64xf32, #tpu.memory_space<vmem>>
      %dma_start3A_108 = tpu.memref_squeeze %dma_start3A_107 : memref<1x1x50x64xf32, #tpu.memory_space<vmem>> -> memref<50x64xf32, #tpu.memory_space<vmem>>
      %dma_start3A_109 = arith.constant 0 : i32
      %dma_start3A_110 = tpu.memref_slice %arg5[%add3A_102, %dma_start3A_109] : memref<512x50xi32, #tpu.memory_space<vmem>> -> memref<1x50xi32, #tpu.memory_space<vmem>>
      %dma_start3A_111 = tpu.memref_squeeze %dma_start3A_110 : memref<1x50xi32, #tpu.memory_space<vmem>> -> memref<50xi32, #tpu.memory_space<vmem>>
      %dma_start3A_112 = arith.constant 0 : i32
      %dma_start3A_113 = arith.constant 0 : i32
      %dma_start3A_114 = tpu.memref_slice %arg3[%dma_start3A_112, %dma_start3A_113] : memref<1000000x64xf32, #tpu.memory_space<hbm>> -> memref<1000000x64xf32, #tpu.memory_space<hbm>>
      tpu.enqueue_indirect_dma source(%dma_start3A_114 : memref<1000000x64xf32, #tpu.memory_space<hbm>>) target(%dma_start3A_108 : memref<50x64xf32, #tpu.memory_space<vmem>>) offsets(%dma_start3A_111 : memref<50xi32, #tpu.memory_space<vmem>>) semaphore(%arg7 : memref<!tpu.dma_semaphore, #tpu.memory_space<semaphore_mem>>)
      %add3A_115 = arith.constant 4 : i32
      %add3A_116 = arith.addi %mul3A_51, %add3A_115 : i32
      %dma_start3A_117 = arith.constant 0 : i32
      %dma_start3A_118 = arith.constant 4 : i32
      %dma_start3A_119 = arith.constant 0 : i32
      %dma_start3A_120 = arith.constant 0 : i32
      %dma_start3A_121 = tpu.memref_slice %arg6[%dma_start3A_117, %dma_start3A_118, %dma_start3A_119, %dma_start3A_120] : memref<2x8x50x64xf32, #tpu.memory_space<vmem>> -> memref<1x1x50x64xf32, #tpu.memory_space<vmem>>
      %dma_start3A_122 = tpu.memref_squeeze %dma_start3A_121 : memref<1x1x50x64xf32, #tpu.memory_space<vmem>> -> memref<50x64xf32, #tpu.memory_space<vmem>>
      %dma_start3A_123 = arith.constant 0 : i32
      %dma_start3A_124 = tpu.memref_slice %arg5[%add3A_116, %dma_start3A_123] : memref<512x50xi32, #tpu.memory_space<vmem>> -> memref<1x50xi32, #tpu.memory_space<vmem>>
      %dma_start3A_125 = tpu.memref_squeeze %dma_start3A_124 : memref<1x50xi32, #tpu.memory_space<vmem>> -> memref<50xi32, #tpu.memory_space<vmem>>
      %dma_start3A_126 = arith.constant 0 : i32
      %dma_start3A_127 = arith.constant 0 : i32
      %dma_start3A_128 = tpu.memref_slice %arg3[%dma_start3A_126, %dma_start3A_127] : memref<1000000x64xf32, #tpu.memory_space<hbm>> -> memref<1000000x64xf32, #tpu.memory_space<hbm>>
      tpu.enqueue_indirect_dma source(%dma_start3A_128 : memref<1000000x64xf32, #tpu.memory_space<hbm>>) target(%dma_start3A_122 : memref<50x64xf32, #tpu.memory_space<vmem>>) offsets(%dma_start3A_125 : memref<50xi32, #tpu.memory_space<vmem>>) semaphore(%arg7 : memref<!tpu.dma_semaphore, #tpu.memory_space<semaphore_mem>>)
      %add3A_129 = arith.constant 5 : i32
      %add3A_130 = arith.addi %mul3A_51, %add3A_129 : i32
      %dma_start3A_131 = arith.constant 0 : i32
      %dma_start3A_132 = arith.constant 5 : i32
      %dma_start3A_133 = arith.constant 0 : i32
      %dma_start3A_134 = arith.constant 0 : i32
      %dma_start3A_135 = tpu.memref_slice %arg6[%dma_start3A_131, %dma_start3A_132, %dma_start3A_133, %dma_start3A_134] : memref<2x8x50x64xf32, #tpu.memory_space<vmem>> -> memref<1x1x50x64xf32, #tpu.memory_space<vmem>>
      %dma_start3A_136 = tpu.memref_squeeze %dma_start3A_135 : memref<1x1x50x64xf32, #tpu.memory_space<vmem>> -> memref<50x64xf32, #tpu.memory_space<vmem>>
      %dma_start3A_137 = arith.constant 0 : i32
      %dma_start3A_138 = tpu.memref_slice %arg5[%add3A_130, %dma_start3A_137] : memref<512x50xi32, #tpu.memory_space<vmem>> -> memref<1x50xi32, #tpu.memory_space<vmem>>
      %dma_start3A_139 = tpu.memref_squeeze %dma_start3A_138 : memref<1x50xi32, #tpu.memory_space<vmem>> -> memref<50xi32, #tpu.memory_space<vmem>>
      %dma_start3A_140 = arith.constant 0 : i32
      %dma_start3A_141 = arith.constant 0 : i32
      %dma_start3A_142 = tpu.memref_slice %arg3[%dma_start3A_140, %dma_start3A_141] : memref<1000000x64xf32, #tpu.memory_space<hbm>> -> memref<1000000x64xf32, #tpu.memory_space<hbm>>
      tpu.enqueue_indirect_dma source(%dma_start3A_142 : memref<1000000x64xf32, #tpu.memory_space<hbm>>) target(%dma_start3A_136 : memref<50x64xf32, #tpu.memory_space<vmem>>) offsets(%dma_start3A_139 : memref<50xi32, #tpu.memory_space<vmem>>) semaphore(%arg7 : memref<!tpu.dma_semaphore, #tpu.memory_space<semaphore_mem>>)
      %add3A_143 = arith.constant 6 : i32
      %add3A_144 = arith.addi %mul3A_51, %add3A_143 : i32
      %dma_start3A_145 = arith.constant 0 : i32
      %dma_start3A_146 = arith.constant 6 : i32
      %dma_start3A_147 = arith.constant 0 : i32
      %dma_start3A_148 = arith.constant 0 : i32
      %dma_start3A_149 = tpu.memref_slice %arg6[%dma_start3A_145, %dma_start3A_146, %dma_start3A_147, %dma_start3A_148] : memref<2x8x50x64xf32, #tpu.memory_space<vmem>> -> memref<1x1x50x64xf32, #tpu.memory_space<vmem>>
      %dma_start3A_150 = tpu.memref_squeeze %dma_start3A_149 : memref<1x1x50x64xf32, #tpu.memory_space<vmem>> -> memref<50x64xf32, #tpu.memory_space<vmem>>
      %dma_start3A_151 = arith.constant 0 : i32
      %dma_start3A_152 = tpu.memref_slice %arg5[%add3A_144, %dma_start3A_151] : memref<512x50xi32, #tpu.memory_space<vmem>> -> memref<1x50xi32, #tpu.memory_space<vmem>>
      %dma_start3A_153 = tpu.memref_squeeze %dma_start3A_152 : memref<1x50xi32, #tpu.memory_space<vmem>> -> memref<50xi32, #tpu.memory_space<vmem>>
      %dma_start3A_154 = arith.constant 0 : i32
      %dma_start3A_155 = arith.constant 0 : i32
      %dma_start3A_156 = tpu.memref_slice %arg3[%dma_start3A_154, %dma_start3A_155] : memref<1000000x64xf32, #tpu.memory_space<hbm>> -> memref<1000000x64xf32, #tpu.memory_space<hbm>>
      tpu.enqueue_indirect_dma source(%dma_start3A_156 : memref<1000000x64xf32, #tpu.memory_space<hbm>>) target(%dma_start3A_150 : memref<50x64xf32, #tpu.memory_space<vmem>>) offsets(%dma_start3A_153 : memref<50xi32, #tpu.memory_space<vmem>>) semaphore(%arg7 : memref<!tpu.dma_semaphore, #tpu.memory_space<semaphore_mem>>)
      %add3A_157 = arith.constant 7 : i32
      %add3A_158 = arith.addi %mul3A_51, %add3A_157 : i32
      %dma_start3A_159 = arith.constant 0 : i32
      %dma_start3A_160 = arith.constant 7 : i32
      %dma_start3A_161 = arith.constant 0 : i32
      %dma_start3A_162 = arith.constant 0 : i32
      %dma_start3A_163 = tpu.memref_slice %arg6[%dma_start3A_159, %dma_start3A_160, %dma_start3A_161, %dma_start3A_162] : memref<2x8x50x64xf32, #tpu.memory_space<vmem>> -> memref<1x1x50x64xf32, #tpu.memory_space<vmem>>
      %dma_start3A_164 = tpu.memref_squeeze %dma_start3A_163 : memref<1x1x50x64xf32, #tpu.memory_space<vmem>> -> memref<50x64xf32, #tpu.memory_space<vmem>>
      %dma_start3A_165 = arith.constant 0 : i32
      %dma_start3A_166 = tpu.memref_slice %arg5[%add3A_158, %dma_start3A_165] : memref<512x50xi32, #tpu.memory_space<vmem>> -> memref<1x50xi32, #tpu.memory_space<vmem>>
      %dma_start3A_167 = tpu.memref_squeeze %dma_start3A_166 : memref<1x50xi32, #tpu.memory_space<vmem>> -> memref<50xi32, #tpu.memory_space<vmem>>
      %dma_start3A_168 = arith.constant 0 : i32
      %dma_start3A_169 = arith.constant 0 : i32
      %dma_start3A_170 = tpu.memref_slice %arg3[%dma_start3A_168, %dma_start3A_169] : memref<1000000x64xf32, #tpu.memory_space<hbm>> -> memref<1000000x64xf32, #tpu.memory_space<hbm>>
      tpu.enqueue_indirect_dma source(%dma_start3A_170 : memref<1000000x64xf32, #tpu.memory_space<hbm>>) target(%dma_start3A_164 : memref<50x64xf32, #tpu.memory_space<vmem>>) offsets(%dma_start3A_167 : memref<50xi32, #tpu.memory_space<vmem>>) semaphore(%arg7 : memref<!tpu.dma_semaphore, #tpu.memory_space<semaphore_mem>>)
      %gt3A_171 = arith.constant 0 : i32
      %gt3A_172 = arith.cmpi sgt, %scan3A_45, %gt3A_171 : i32
      %convert_element_type3A_173 = arith.extui %gt3A_172 : i1 to i32
      %cond3A_174 = arith.constant 0 : i32
      %cond3A_175 = arith.cmpi ne, %convert_element_type3A_173, %cond3A_174 : i32
      scf.if %cond3A_175 {
        %add3A_548 = arith.addi %mul3A_2, %mul3A_57 : i32
        %dma_wait3A_549 = arith.constant 1 : i32
        %dma_wait3A_550 = arith.constant 0 : i32
        %dma_wait3A_551 = arith.constant 0 : i32
        %dma_wait3A_552 = arith.constant 0 : i32
        %dma_wait3A_553 = tpu.memref_slice %arg6[%dma_wait3A_549, %dma_wait3A_550, %dma_wait3A_551, %dma_wait3A_552] : memref<2x8x50x64xf32, #tpu.memory_space<vmem>> -> memref<1x8x50x64xf32, #tpu.memory_space<vmem>>
        %dma_wait3A_554 = tpu.memref_squeeze %dma_wait3A_553 : memref<1x8x50x64xf32, #tpu.memory_space<vmem>> -> memref<8x50x64xf32, #tpu.memory_space<vmem>>
        %dma_wait3A_555 = arith.constant 0 : i32
        %dma_wait3A_556 = arith.constant 0 : i32
        %dma_wait3A_557 = tpu.memref_slice %arg4[%add3A_548, %dma_wait3A_555, %dma_wait3A_556] : memref<16384x56x128xf32, #tpu.memory_space<hbm>> -> memref<8x50x64xf32, #tpu.memory_space<hbm>>
        %dma_wait3A_558 = arith.constant 0 : i32
        %dma_wait3A_559 = arith.constant 0 : i32
        %dma_wait3A_560 = tpu.memref_slice %arg4[%add3A_548, %dma_wait3A_558, %dma_wait3A_559] : memref<16384x56x128xf32, #tpu.memory_space<hbm>> -> memref<8x50x64xf32, #tpu.memory_space<hbm>>
        %dma_wait3A_561 = arith.constant 0 : i32
        %dma_wait3A_562 = arith.constant 0 : i32
        %dma_wait3A_563 = arith.constant 0 : i32
        %dma_wait3A_564 = tpu.memref_slice %arg6[%dma_wait3A_549, %dma_wait3A_561, %dma_wait3A_562, %dma_wait3A_563] : memref<2x8x50x64xf32, #tpu.memory_space<vmem>> -> memref<1x8x50x64xf32, #tpu.memory_space<vmem>>
        %dma_wait3A_565 = tpu.memref_squeeze %dma_wait3A_564 : memref<1x8x50x64xf32, #tpu.memory_space<vmem>> -> memref<8x50x64xf32, #tpu.memory_space<vmem>>
        tpu.wait_dma2 semaphore(%arg10 : memref<!tpu.dma_semaphore, #tpu.memory_space<semaphore_mem>>) src(%dma_wait3A_565 : memref<8x50x64xf32, #tpu.memory_space<vmem>>) dst(%dma_wait3A_560 : memref<8x50x64xf32, #tpu.memory_space<hbm>>)
      } else {
      }
      %add3A_176 = arith.constant 0 : i32
      %add3A_177 = arith.addi %mul3A_57, %add3A_176 : i32
      %dma_start3A_178 = arith.constant 1 : i32
      %dma_start3A_179 = arith.constant 0 : i32
      %dma_start3A_180 = arith.constant 0 : i32
      %dma_start3A_181 = arith.constant 0 : i32
      %dma_start3A_182 = tpu.memref_slice %arg6[%dma_start3A_178, %dma_start3A_179, %dma_start3A_180, %dma_start3A_181] : memref<2x8x50x64xf32, #tpu.memory_space<vmem>> -> memref<1x1x50x64xf32, #tpu.memory_space<vmem>>
      %dma_start3A_183 = tpu.memref_squeeze %dma_start3A_182 : memref<1x1x50x64xf32, #tpu.memory_space<vmem>> -> memref<50x64xf32, #tpu.memory_space<vmem>>
      %dma_start3A_184 = arith.constant 0 : i32
      %dma_start3A_185 = tpu.memref_slice %arg5[%add3A_177, %dma_start3A_184] : memref<512x50xi32, #tpu.memory_space<vmem>> -> memref<1x50xi32, #tpu.memory_space<vmem>>
      %dma_start3A_186 = tpu.memref_squeeze %dma_start3A_185 : memref<1x50xi32, #tpu.memory_space<vmem>> -> memref<50xi32, #tpu.memory_space<vmem>>
      %dma_start3A_187 = arith.constant 0 : i32
      %dma_start3A_188 = arith.constant 0 : i32
      %dma_start3A_189 = tpu.memref_slice %arg3[%dma_start3A_187, %dma_start3A_188] : memref<1000000x64xf32, #tpu.memory_space<hbm>> -> memref<1000000x64xf32, #tpu.memory_space<hbm>>
      tpu.enqueue_indirect_dma source(%dma_start3A_189 : memref<1000000x64xf32, #tpu.memory_space<hbm>>) target(%dma_start3A_183 : memref<50x64xf32, #tpu.memory_space<vmem>>) offsets(%dma_start3A_186 : memref<50xi32, #tpu.memory_space<vmem>>) semaphore(%arg8 : memref<!tpu.dma_semaphore, #tpu.memory_space<semaphore_mem>>)
      %add3A_190 = arith.constant 1 : i32
      %add3A_191 = arith.addi %mul3A_57, %add3A_190 : i32
      %dma_start3A_192 = arith.constant 1 : i32
      %dma_start3A_193 = arith.constant 1 : i32
      %dma_start3A_194 = arith.constant 0 : i32
      %dma_start3A_195 = arith.constant 0 : i32
      %dma_start3A_196 = tpu.memref_slice %arg6[%dma_start3A_192, %dma_start3A_193, %dma_start3A_194, %dma_start3A_195] : memref<2x8x50x64xf32, #tpu.memory_space<vmem>> -> memref<1x1x50x64xf32, #tpu.memory_space<vmem>>
      %dma_start3A_197 = tpu.memref_squeeze %dma_start3A_196 : memref<1x1x50x64xf32, #tpu.memory_space<vmem>> -> memref<50x64xf32, #tpu.memory_space<vmem>>
      %dma_start3A_198 = arith.constant 0 : i32
      %dma_start3A_199 = tpu.memref_slice %arg5[%add3A_191, %dma_start3A_198] : memref<512x50xi32, #tpu.memory_space<vmem>> -> memref<1x50xi32, #tpu.memory_space<vmem>>
      %dma_start3A_200 = tpu.memref_squeeze %dma_start3A_199 : memref<1x50xi32, #tpu.memory_space<vmem>> -> memref<50xi32, #tpu.memory_space<vmem>>
      %dma_start3A_201 = arith.constant 0 : i32
      %dma_start3A_202 = arith.constant 0 : i32
      %dma_start3A_203 = tpu.memref_slice %arg3[%dma_start3A_201, %dma_start3A_202] : memref<1000000x64xf32, #tpu.memory_space<hbm>> -> memref<1000000x64xf32, #tpu.memory_space<hbm>>
      tpu.enqueue_indirect_dma source(%dma_start3A_203 : memref<1000000x64xf32, #tpu.memory_space<hbm>>) target(%dma_start3A_197 : memref<50x64xf32, #tpu.memory_space<vmem>>) offsets(%dma_start3A_200 : memref<50xi32, #tpu.memory_space<vmem>>) semaphore(%arg8 : memref<!tpu.dma_semaphore, #tpu.memory_space<semaphore_mem>>)
      %add3A_204 = arith.constant 2 : i32
      %add3A_205 = arith.addi %mul3A_57, %add3A_204 : i32
      %dma_start3A_206 = arith.constant 1 : i32
      %dma_start3A_207 = arith.constant 2 : i32
      %dma_start3A_208 = arith.constant 0 : i32
      %dma_start3A_209 = arith.constant 0 : i32
      %dma_start3A_210 = tpu.memref_slice %arg6[%dma_start3A_206, %dma_start3A_207, %dma_start3A_208, %dma_start3A_209] : memref<2x8x50x64xf32, #tpu.memory_space<vmem>> -> memref<1x1x50x64xf32, #tpu.memory_space<vmem>>
      %dma_start3A_211 = tpu.memref_squeeze %dma_start3A_210 : memref<1x1x50x64xf32, #tpu.memory_space<vmem>> -> memref<50x64xf32, #tpu.memory_space<vmem>>
      %dma_start3A_212 = arith.constant 0 : i32
      %dma_start3A_213 = tpu.memref_slice %arg5[%add3A_205, %dma_start3A_212] : memref<512x50xi32, #tpu.memory_space<vmem>> -> memref<1x50xi32, #tpu.memory_space<vmem>>
      %dma_start3A_214 = tpu.memref_squeeze %dma_start3A_213 : memref<1x50xi32, #tpu.memory_space<vmem>> -> memref<50xi32, #tpu.memory_space<vmem>>
      %dma_start3A_215 = arith.constant 0 : i32
      %dma_start3A_216 = arith.constant 0 : i32
      %dma_start3A_217 = tpu.memref_slice %arg3[%dma_start3A_215, %dma_start3A_216] : memref<1000000x64xf32, #tpu.memory_space<hbm>> -> memref<1000000x64xf32, #tpu.memory_space<hbm>>
      tpu.enqueue_indirect_dma source(%dma_start3A_217 : memref<1000000x64xf32, #tpu.memory_space<hbm>>) target(%dma_start3A_211 : memref<50x64xf32, #tpu.memory_space<vmem>>) offsets(%dma_start3A_214 : memref<50xi32, #tpu.memory_space<vmem>>) semaphore(%arg8 : memref<!tpu.dma_semaphore, #tpu.memory_space<semaphore_mem>>)
      %add3A_218 = arith.constant 3 : i32
      %add3A_219 = arith.addi %mul3A_57, %add3A_218 : i32
      %dma_start3A_220 = arith.constant 1 : i32
      %dma_start3A_221 = arith.constant 3 : i32
      %dma_start3A_222 = arith.constant 0 : i32
      %dma_start3A_223 = arith.constant 0 : i32
      %dma_start3A_224 = tpu.memref_slice %arg6[%dma_start3A_220, %dma_start3A_221, %dma_start3A_222, %dma_start3A_223] : memref<2x8x50x64xf32, #tpu.memory_space<vmem>> -> memref<1x1x50x64xf32, #tpu.memory_space<vmem>>
      %dma_start3A_225 = tpu.memref_squeeze %dma_start3A_224 : memref<1x1x50x64xf32, #tpu.memory_space<vmem>> -> memref<50x64xf32, #tpu.memory_space<vmem>>
      %dma_start3A_226 = arith.constant 0 : i32
      %dma_start3A_227 = tpu.memref_slice %arg5[%add3A_219, %dma_start3A_226] : memref<512x50xi32, #tpu.memory_space<vmem>> -> memref<1x50xi32, #tpu.memory_space<vmem>>
      %dma_start3A_228 = tpu.memref_squeeze %dma_start3A_227 : memref<1x50xi32, #tpu.memory_space<vmem>> -> memref<50xi32, #tpu.memory_space<vmem>>
      %dma_start3A_229 = arith.constant 0 : i32
      %dma_start3A_230 = arith.constant 0 : i32
      %dma_start3A_231 = tpu.memref_slice %arg3[%dma_start3A_229, %dma_start3A_230] : memref<1000000x64xf32, #tpu.memory_space<hbm>> -> memref<1000000x64xf32, #tpu.memory_space<hbm>>
      tpu.enqueue_indirect_dma source(%dma_start3A_231 : memref<1000000x64xf32, #tpu.memory_space<hbm>>) target(%dma_start3A_225 : memref<50x64xf32, #tpu.memory_space<vmem>>) offsets(%dma_start3A_228 : memref<50xi32, #tpu.memory_space<vmem>>) semaphore(%arg8 : memref<!tpu.dma_semaphore, #tpu.memory_space<semaphore_mem>>)
      %add3A_232 = arith.constant 4 : i32
      %add3A_233 = arith.addi %mul3A_57, %add3A_232 : i32
      %dma_start3A_234 = arith.constant 1 : i32
      %dma_start3A_235 = arith.constant 4 : i32
      %dma_start3A_236 = arith.constant 0 : i32
      %dma_start3A_237 = arith.constant 0 : i32
      %dma_start3A_238 = tpu.memref_slice %arg6[%dma_start3A_234, %dma_start3A_235, %dma_start3A_236, %dma_start3A_237] : memref<2x8x50x64xf32, #tpu.memory_space<vmem>> -> memref<1x1x50x64xf32, #tpu.memory_space<vmem>>
      %dma_start3A_239 = tpu.memref_squeeze %dma_start3A_238 : memref<1x1x50x64xf32, #tpu.memory_space<vmem>> -> memref<50x64xf32, #tpu.memory_space<vmem>>
      %dma_start3A_240 = arith.constant 0 : i32
      %dma_start3A_241 = tpu.memref_slice %arg5[%add3A_233, %dma_start3A_240] : memref<512x50xi32, #tpu.memory_space<vmem>> -> memref<1x50xi32, #tpu.memory_space<vmem>>
      %dma_start3A_242 = tpu.memref_squeeze %dma_start3A_241 : memref<1x50xi32, #tpu.memory_space<vmem>> -> memref<50xi32, #tpu.memory_space<vmem>>
      %dma_start3A_243 = arith.constant 0 : i32
      %dma_start3A_244 = arith.constant 0 : i32
      %dma_start3A_245 = tpu.memref_slice %arg3[%dma_start3A_243, %dma_start3A_244] : memref<1000000x64xf32, #tpu.memory_space<hbm>> -> memref<1000000x64xf32, #tpu.memory_space<hbm>>
      tpu.enqueue_indirect_dma source(%dma_start3A_245 : memref<1000000x64xf32, #tpu.memory_space<hbm>>) target(%dma_start3A_239 : memref<50x64xf32, #tpu.memory_space<vmem>>) offsets(%dma_start3A_242 : memref<50xi32, #tpu.memory_space<vmem>>) semaphore(%arg8 : memref<!tpu.dma_semaphore, #tpu.memory_space<semaphore_mem>>)
      %add3A_246 = arith.constant 5 : i32
      %add3A_247 = arith.addi %mul3A_57, %add3A_246 : i32
      %dma_start3A_248 = arith.constant 1 : i32
      %dma_start3A_249 = arith.constant 5 : i32
      %dma_start3A_250 = arith.constant 0 : i32
      %dma_start3A_251 = arith.constant 0 : i32
      %dma_start3A_252 = tpu.memref_slice %arg6[%dma_start3A_248, %dma_start3A_249, %dma_start3A_250, %dma_start3A_251] : memref<2x8x50x64xf32, #tpu.memory_space<vmem>> -> memref<1x1x50x64xf32, #tpu.memory_space<vmem>>
      %dma_start3A_253 = tpu.memref_squeeze %dma_start3A_252 : memref<1x1x50x64xf32, #tpu.memory_space<vmem>> -> memref<50x64xf32, #tpu.memory_space<vmem>>
      %dma_start3A_254 = arith.constant 0 : i32
      %dma_start3A_255 = tpu.memref_slice %arg5[%add3A_247, %dma_start3A_254] : memref<512x50xi32, #tpu.memory_space<vmem>> -> memref<1x50xi32, #tpu.memory_space<vmem>>
      %dma_start3A_256 = tpu.memref_squeeze %dma_start3A_255 : memref<1x50xi32, #tpu.memory_space<vmem>> -> memref<50xi32, #tpu.memory_space<vmem>>
      %dma_start3A_257 = arith.constant 0 : i32
      %dma_start3A_258 = arith.constant 0 : i32
      %dma_start3A_259 = tpu.memref_slice %arg3[%dma_start3A_257, %dma_start3A_258] : memref<1000000x64xf32, #tpu.memory_space<hbm>> -> memref<1000000x64xf32, #tpu.memory_space<hbm>>
      tpu.enqueue_indirect_dma source(%dma_start3A_259 : memref<1000000x64xf32, #tpu.memory_space<hbm>>) target(%dma_start3A_253 : memref<50x64xf32, #tpu.memory_space<vmem>>) offsets(%dma_start3A_256 : memref<50xi32, #tpu.memory_space<vmem>>) semaphore(%arg8 : memref<!tpu.dma_semaphore, #tpu.memory_space<semaphore_mem>>)
      %add3A_260 = arith.constant 6 : i32
      %add3A_261 = arith.addi %mul3A_57, %add3A_260 : i32
      %dma_start3A_262 = arith.constant 1 : i32
      %dma_start3A_263 = arith.constant 6 : i32
      %dma_start3A_264 = arith.constant 0 : i32
      %dma_start3A_265 = arith.constant 0 : i32
      %dma_start3A_266 = tpu.memref_slice %arg6[%dma_start3A_262, %dma_start3A_263, %dma_start3A_264, %dma_start3A_265] : memref<2x8x50x64xf32, #tpu.memory_space<vmem>> -> memref<1x1x50x64xf32, #tpu.memory_space<vmem>>
      %dma_start3A_267 = tpu.memref_squeeze %dma_start3A_266 : memref<1x1x50x64xf32, #tpu.memory_space<vmem>> -> memref<50x64xf32, #tpu.memory_space<vmem>>
      %dma_start3A_268 = arith.constant 0 : i32
      %dma_start3A_269 = tpu.memref_slice %arg5[%add3A_261, %dma_start3A_268] : memref<512x50xi32, #tpu.memory_space<vmem>> -> memref<1x50xi32, #tpu.memory_space<vmem>>
      %dma_start3A_270 = tpu.memref_squeeze %dma_start3A_269 : memref<1x50xi32, #tpu.memory_space<vmem>> -> memref<50xi32, #tpu.memory_space<vmem>>
      %dma_start3A_271 = arith.constant 0 : i32
      %dma_start3A_272 = arith.constant 0 : i32
      %dma_start3A_273 = tpu.memref_slice %arg3[%dma_start3A_271, %dma_start3A_272] : memref<1000000x64xf32, #tpu.memory_space<hbm>> -> memref<1000000x64xf32, #tpu.memory_space<hbm>>
      tpu.enqueue_indirect_dma source(%dma_start3A_273 : memref<1000000x64xf32, #tpu.memory_space<hbm>>) target(%dma_start3A_267 : memref<50x64xf32, #tpu.memory_space<vmem>>) offsets(%dma_start3A_270 : memref<50xi32, #tpu.memory_space<vmem>>) semaphore(%arg8 : memref<!tpu.dma_semaphore, #tpu.memory_space<semaphore_mem>>)
      %add3A_274 = arith.constant 7 : i32
      %add3A_275 = arith.addi %mul3A_57, %add3A_274 : i32
      %dma_start3A_276 = arith.constant 1 : i32
      %dma_start3A_277 = arith.constant 7 : i32
      %dma_start3A_278 = arith.constant 0 : i32
      %dma_start3A_279 = arith.constant 0 : i32
      %dma_start3A_280 = tpu.memref_slice %arg6[%dma_start3A_276, %dma_start3A_277, %dma_start3A_278, %dma_start3A_279] : memref<2x8x50x64xf32, #tpu.memory_space<vmem>> -> memref<1x1x50x64xf32, #tpu.memory_space<vmem>>
      %dma_start3A_281 = tpu.memref_squeeze %dma_start3A_280 : memref<1x1x50x64xf32, #tpu.memory_space<vmem>> -> memref<50x64xf32, #tpu.memory_space<vmem>>
      %dma_start3A_282 = arith.constant 0 : i32
      %dma_start3A_283 = tpu.memref_slice %arg5[%add3A_275, %dma_start3A_282] : memref<512x50xi32, #tpu.memory_space<vmem>> -> memref<1x50xi32, #tpu.memory_space<vmem>>
      %dma_start3A_284 = tpu.memref_squeeze %dma_start3A_283 : memref<1x50xi32, #tpu.memory_space<vmem>> -> memref<50xi32, #tpu.memory_space<vmem>>
      %dma_start3A_285 = arith.constant 0 : i32
      %dma_start3A_286 = arith.constant 0 : i32
      %dma_start3A_287 = tpu.memref_slice %arg3[%dma_start3A_285, %dma_start3A_286] : memref<1000000x64xf32, #tpu.memory_space<hbm>> -> memref<1000000x64xf32, #tpu.memory_space<hbm>>
      tpu.enqueue_indirect_dma source(%dma_start3A_287 : memref<1000000x64xf32, #tpu.memory_space<hbm>>) target(%dma_start3A_281 : memref<50x64xf32, #tpu.memory_space<vmem>>) offsets(%dma_start3A_284 : memref<50xi32, #tpu.memory_space<vmem>>) semaphore(%arg8 : memref<!tpu.dma_semaphore, #tpu.memory_space<semaphore_mem>>)
      %add3A_288 = arith.constant 0 : i32
      %add3A_289 = arith.addi %mul3A_51, %add3A_288 : i32
      %dma_wait3A_290 = arith.constant 0 : i32
      %dma_wait3A_291 = arith.constant 0 : i32
      %dma_wait3A_292 = arith.constant 0 : i32
      %dma_wait3A_293 = arith.constant 0 : i32
      %dma_wait3A_294 = tpu.memref_slice %arg6[%dma_wait3A_290, %dma_wait3A_291, %dma_wait3A_292, %dma_wait3A_293] : memref<2x8x50x64xf32, #tpu.memory_space<vmem>> -> memref<1x1x50x64xf32, #tpu.memory_space<vmem>>
      %dma_wait3A_295 = tpu.memref_squeeze %dma_wait3A_294 : memref<1x1x50x64xf32, #tpu.memory_space<vmem>> -> memref<50x64xf32, #tpu.memory_space<vmem>>
      %dma_wait3A_296 = arith.constant 0 : i32
      %dma_wait3A_297 = tpu.memref_slice %arg5[%add3A_289, %dma_wait3A_296] : memref<512x50xi32, #tpu.memory_space<vmem>> -> memref<1x50xi32, #tpu.memory_space<vmem>>
      %dma_wait3A_298 = tpu.memref_squeeze %dma_wait3A_297 : memref<1x50xi32, #tpu.memory_space<vmem>> -> memref<50xi32, #tpu.memory_space<vmem>>
      %dma_wait3A_299 = arith.constant 0 : i32
      %dma_wait3A_300 = arith.constant 0 : i32
      %dma_wait3A_301 = tpu.memref_slice %arg3[%dma_wait3A_299, %dma_wait3A_300] : memref<1000000x64xf32, #tpu.memory_space<hbm>> -> memref<1000000x64xf32, #tpu.memory_space<hbm>>
      tpu.wait_indirect_dma semaphore(%arg7 : memref<!tpu.dma_semaphore, #tpu.memory_space<semaphore_mem>>) src(%dma_wait3A_301 : memref<1000000x64xf32, #tpu.memory_space<hbm>>) dst(%dma_wait3A_295 : memref<50x64xf32, #tpu.memory_space<vmem>>)
      %add3A_302 = arith.constant 1 : i32
      %add3A_303 = arith.addi %mul3A_51, %add3A_302 : i32
      %dma_wait3A_304 = arith.constant 0 : i32
      %dma_wait3A_305 = arith.constant 1 : i32
      %dma_wait3A_306 = arith.constant 0 : i32
      %dma_wait3A_307 = arith.constant 0 : i32
      %dma_wait3A_308 = tpu.memref_slice %arg6[%dma_wait3A_304, %dma_wait3A_305, %dma_wait3A_306, %dma_wait3A_307] : memref<2x8x50x64xf32, #tpu.memory_space<vmem>> -> memref<1x1x50x64xf32, #tpu.memory_space<vmem>>
      %dma_wait3A_309 = tpu.memref_squeeze %dma_wait3A_308 : memref<1x1x50x64xf32, #tpu.memory_space<vmem>> -> memref<50x64xf32, #tpu.memory_space<vmem>>
      %dma_wait3A_310 = arith.constant 0 : i32
      %dma_wait3A_311 = tpu.memref_slice %arg5[%add3A_303, %dma_wait3A_310] : memref<512x50xi32, #tpu.memory_space<vmem>> -> memref<1x50xi32, #tpu.memory_space<vmem>>
      %dma_wait3A_312 = tpu.memref_squeeze %dma_wait3A_311 : memref<1x50xi32, #tpu.memory_space<vmem>> -> memref<50xi32, #tpu.memory_space<vmem>>
      %dma_wait3A_313 = arith.constant 0 : i32
      %dma_wait3A_314 = arith.constant 0 : i32
      %dma_wait3A_315 = tpu.memref_slice %arg3[%dma_wait3A_313, %dma_wait3A_314] : memref<1000000x64xf32, #tpu.memory_space<hbm>> -> memref<1000000x64xf32, #tpu.memory_space<hbm>>
      tpu.wait_indirect_dma semaphore(%arg7 : memref<!tpu.dma_semaphore, #tpu.memory_space<semaphore_mem>>) src(%dma_wait3A_315 : memref<1000000x64xf32, #tpu.memory_space<hbm>>) dst(%dma_wait3A_309 : memref<50x64xf32, #tpu.memory_space<vmem>>)
      %add3A_316 = arith.constant 2 : i32
      %add3A_317 = arith.addi %mul3A_51, %add3A_316 : i32
      %dma_wait3A_318 = arith.constant 0 : i32
      %dma_wait3A_319 = arith.constant 2 : i32
      %dma_wait3A_320 = arith.constant 0 : i32
      %dma_wait3A_321 = arith.constant 0 : i32
      %dma_wait3A_322 = tpu.memref_slice %arg6[%dma_wait3A_318, %dma_wait3A_319, %dma_wait3A_320, %dma_wait3A_321] : memref<2x8x50x64xf32, #tpu.memory_space<vmem>> -> memref<1x1x50x64xf32, #tpu.memory_space<vmem>>
      %dma_wait3A_323 = tpu.memref_squeeze %dma_wait3A_322 : memref<1x1x50x64xf32, #tpu.memory_space<vmem>> -> memref<50x64xf32, #tpu.memory_space<vmem>>
      %dma_wait3A_324 = arith.constant 0 : i32
      %dma_wait3A_325 = tpu.memref_slice %arg5[%add3A_317, %dma_wait3A_324] : memref<512x50xi32, #tpu.memory_space<vmem>> -> memref<1x50xi32, #tpu.memory_space<vmem>>
      %dma_wait3A_326 = tpu.memref_squeeze %dma_wait3A_325 : memref<1x50xi32, #tpu.memory_space<vmem>> -> memref<50xi32, #tpu.memory_space<vmem>>
      %dma_wait3A_327 = arith.constant 0 : i32
      %dma_wait3A_328 = arith.constant 0 : i32
      %dma_wait3A_329 = tpu.memref_slice %arg3[%dma_wait3A_327, %dma_wait3A_328] : memref<1000000x64xf32, #tpu.memory_space<hbm>> -> memref<1000000x64xf32, #tpu.memory_space<hbm>>
      tpu.wait_indirect_dma semaphore(%arg7 : memref<!tpu.dma_semaphore, #tpu.memory_space<semaphore_mem>>) src(%dma_wait3A_329 : memref<1000000x64xf32, #tpu.memory_space<hbm>>) dst(%dma_wait3A_323 : memref<50x64xf32, #tpu.memory_space<vmem>>)
      %add3A_330 = arith.constant 3 : i32
      %add3A_331 = arith.addi %mul3A_51, %add3A_330 : i32
      %dma_wait3A_332 = arith.constant 0 : i32
      %dma_wait3A_333 = arith.constant 3 : i32
      %dma_wait3A_334 = arith.constant 0 : i32
      %dma_wait3A_335 = arith.constant 0 : i32
      %dma_wait3A_336 = tpu.memref_slice %arg6[%dma_wait3A_332, %dma_wait3A_333, %dma_wait3A_334, %dma_wait3A_335] : memref<2x8x50x64xf32, #tpu.memory_space<vmem>> -> memref<1x1x50x64xf32, #tpu.memory_space<vmem>>
      %dma_wait3A_337 = tpu.memref_squeeze %dma_wait3A_336 : memref<1x1x50x64xf32, #tpu.memory_space<vmem>> -> memref<50x64xf32, #tpu.memory_space<vmem>>
      %dma_wait3A_338 = arith.constant 0 : i32
      %dma_wait3A_339 = tpu.memref_slice %arg5[%add3A_331, %dma_wait3A_338] : memref<512x50xi32, #tpu.memory_space<vmem>> -> memref<1x50xi32, #tpu.memory_space<vmem>>
      %dma_wait3A_340 = tpu.memref_squeeze %dma_wait3A_339 : memref<1x50xi32, #tpu.memory_space<vmem>> -> memref<50xi32, #tpu.memory_space<vmem>>
      %dma_wait3A_341 = arith.constant 0 : i32
      %dma_wait3A_342 = arith.constant 0 : i32
      %dma_wait3A_343 = tpu.memref_slice %arg3[%dma_wait3A_341, %dma_wait3A_342] : memref<1000000x64xf32, #tpu.memory_space<hbm>> -> memref<1000000x64xf32, #tpu.memory_space<hbm>>
      tpu.wait_indirect_dma semaphore(%arg7 : memref<!tpu.dma_semaphore, #tpu.memory_space<semaphore_mem>>) src(%dma_wait3A_343 : memref<1000000x64xf32, #tpu.memory_space<hbm>>) dst(%dma_wait3A_337 : memref<50x64xf32, #tpu.memory_space<vmem>>)
      %add3A_344 = arith.constant 4 : i32
      %add3A_345 = arith.addi %mul3A_51, %add3A_344 : i32
      %dma_wait3A_346 = arith.constant 0 : i32
      %dma_wait3A_347 = arith.constant 4 : i32
      %dma_wait3A_348 = arith.constant 0 : i32
      %dma_wait3A_349 = arith.constant 0 : i32
      %dma_wait3A_350 = tpu.memref_slice %arg6[%dma_wait3A_346, %dma_wait3A_347, %dma_wait3A_348, %dma_wait3A_349] : memref<2x8x50x64xf32, #tpu.memory_space<vmem>> -> memref<1x1x50x64xf32, #tpu.memory_space<vmem>>
      %dma_wait3A_351 = tpu.memref_squeeze %dma_wait3A_350 : memref<1x1x50x64xf32, #tpu.memory_space<vmem>> -> memref<50x64xf32, #tpu.memory_space<vmem>>
      %dma_wait3A_352 = arith.constant 0 : i32
      %dma_wait3A_353 = tpu.memref_slice %arg5[%add3A_345, %dma_wait3A_352] : memref<512x50xi32, #tpu.memory_space<vmem>> -> memref<1x50xi32, #tpu.memory_space<vmem>>
      %dma_wait3A_354 = tpu.memref_squeeze %dma_wait3A_353 : memref<1x50xi32, #tpu.memory_space<vmem>> -> memref<50xi32, #tpu.memory_space<vmem>>
      %dma_wait3A_355 = arith.constant 0 : i32
      %dma_wait3A_356 = arith.constant 0 : i32
      %dma_wait3A_357 = tpu.memref_slice %arg3[%dma_wait3A_355, %dma_wait3A_356] : memref<1000000x64xf32, #tpu.memory_space<hbm>> -> memref<1000000x64xf32, #tpu.memory_space<hbm>>
      tpu.wait_indirect_dma semaphore(%arg7 : memref<!tpu.dma_semaphore, #tpu.memory_space<semaphore_mem>>) src(%dma_wait3A_357 : memref<1000000x64xf32, #tpu.memory_space<hbm>>) dst(%dma_wait3A_351 : memref<50x64xf32, #tpu.memory_space<vmem>>)
      %add3A_358 = arith.constant 5 : i32
      %add3A_359 = arith.addi %mul3A_51, %add3A_358 : i32
      %dma_wait3A_360 = arith.constant 0 : i32
      %dma_wait3A_361 = arith.constant 5 : i32
      %dma_wait3A_362 = arith.constant 0 : i32
      %dma_wait3A_363 = arith.constant 0 : i32
      %dma_wait3A_364 = tpu.memref_slice %arg6[%dma_wait3A_360, %dma_wait3A_361, %dma_wait3A_362, %dma_wait3A_363] : memref<2x8x50x64xf32, #tpu.memory_space<vmem>> -> memref<1x1x50x64xf32, #tpu.memory_space<vmem>>
      %dma_wait3A_365 = tpu.memref_squeeze %dma_wait3A_364 : memref<1x1x50x64xf32, #tpu.memory_space<vmem>> -> memref<50x64xf32, #tpu.memory_space<vmem>>
      %dma_wait3A_366 = arith.constant 0 : i32
      %dma_wait3A_367 = tpu.memref_slice %arg5[%add3A_359, %dma_wait3A_366] : memref<512x50xi32, #tpu.memory_space<vmem>> -> memref<1x50xi32, #tpu.memory_space<vmem>>
      %dma_wait3A_368 = tpu.memref_squeeze %dma_wait3A_367 : memref<1x50xi32, #tpu.memory_space<vmem>> -> memref<50xi32, #tpu.memory_space<vmem>>
      %dma_wait3A_369 = arith.constant 0 : i32
      %dma_wait3A_370 = arith.constant 0 : i32
      %dma_wait3A_371 = tpu.memref_slice %arg3[%dma_wait3A_369, %dma_wait3A_370] : memref<1000000x64xf32, #tpu.memory_space<hbm>> -> memref<1000000x64xf32, #tpu.memory_space<hbm>>
      tpu.wait_indirect_dma semaphore(%arg7 : memref<!tpu.dma_semaphore, #tpu.memory_space<semaphore_mem>>) src(%dma_wait3A_371 : memref<1000000x64xf32, #tpu.memory_space<hbm>>) dst(%dma_wait3A_365 : memref<50x64xf32, #tpu.memory_space<vmem>>)
      %add3A_372 = arith.constant 6 : i32
      %add3A_373 = arith.addi %mul3A_51, %add3A_372 : i32
      %dma_wait3A_374 = arith.constant 0 : i32
      %dma_wait3A_375 = arith.constant 6 : i32
      %dma_wait3A_376 = arith.constant 0 : i32
      %dma_wait3A_377 = arith.constant 0 : i32
      %dma_wait3A_378 = tpu.memref_slice %arg6[%dma_wait3A_374, %dma_wait3A_375, %dma_wait3A_376, %dma_wait3A_377] : memref<2x8x50x64xf32, #tpu.memory_space<vmem>> -> memref<1x1x50x64xf32, #tpu.memory_space<vmem>>
      %dma_wait3A_379 = tpu.memref_squeeze %dma_wait3A_378 : memref<1x1x50x64xf32, #tpu.memory_space<vmem>> -> memref<50x64xf32, #tpu.memory_space<vmem>>
      %dma_wait3A_380 = arith.constant 0 : i32
      %dma_wait3A_381 = tpu.memref_slice %arg5[%add3A_373, %dma_wait3A_380] : memref<512x50xi32, #tpu.memory_space<vmem>> -> memref<1x50xi32, #tpu.memory_space<vmem>>
      %dma_wait3A_382 = tpu.memref_squeeze %dma_wait3A_381 : memref<1x50xi32, #tpu.memory_space<vmem>> -> memref<50xi32, #tpu.memory_space<vmem>>
      %dma_wait3A_383 = arith.constant 0 : i32
      %dma_wait3A_384 = arith.constant 0 : i32
      %dma_wait3A_385 = tpu.memref_slice %arg3[%dma_wait3A_383, %dma_wait3A_384] : memref<1000000x64xf32, #tpu.memory_space<hbm>> -> memref<1000000x64xf32, #tpu.memory_space<hbm>>
      tpu.wait_indirect_dma semaphore(%arg7 : memref<!tpu.dma_semaphore, #tpu.memory_space<semaphore_mem>>) src(%dma_wait3A_385 : memref<1000000x64xf32, #tpu.memory_space<hbm>>) dst(%dma_wait3A_379 : memref<50x64xf32, #tpu.memory_space<vmem>>)
      %add3A_386 = arith.constant 7 : i32
      %add3A_387 = arith.addi %mul3A_51, %add3A_386 : i32
      %dma_wait3A_388 = arith.constant 0 : i32
      %dma_wait3A_389 = arith.constant 7 : i32
      %dma_wait3A_390 = arith.constant 0 : i32
      %dma_wait3A_391 = arith.constant 0 : i32
      %dma_wait3A_392 = tpu.memref_slice %arg6[%dma_wait3A_388, %dma_wait3A_389, %dma_wait3A_390, %dma_wait3A_391] : memref<2x8x50x64xf32, #tpu.memory_space<vmem>> -> memref<1x1x50x64xf32, #tpu.memory_space<vmem>>
      %dma_wait3A_393 = tpu.memref_squeeze %dma_wait3A_392 : memref<1x1x50x64xf32, #tpu.memory_space<vmem>> -> memref<50x64xf32, #tpu.memory_space<vmem>>
      %dma_wait3A_394 = arith.constant 0 : i32
      %dma_wait3A_395 = tpu.memref_slice %arg5[%add3A_387, %dma_wait3A_394] : memref<512x50xi32, #tpu.memory_space<vmem>> -> memref<1x50xi32, #tpu.memory_space<vmem>>
      %dma_wait3A_396 = tpu.memref_squeeze %dma_wait3A_395 : memref<1x50xi32, #tpu.memory_space<vmem>> -> memref<50xi32, #tpu.memory_space<vmem>>
      %dma_wait3A_397 = arith.constant 0 : i32
      %dma_wait3A_398 = arith.constant 0 : i32
      %dma_wait3A_399 = tpu.memref_slice %arg3[%dma_wait3A_397, %dma_wait3A_398] : memref<1000000x64xf32, #tpu.memory_space<hbm>> -> memref<1000000x64xf32, #tpu.memory_space<hbm>>
      tpu.wait_indirect_dma semaphore(%arg7 : memref<!tpu.dma_semaphore, #tpu.memory_space<semaphore_mem>>) src(%dma_wait3A_399 : memref<1000000x64xf32, #tpu.memory_space<hbm>>) dst(%dma_wait3A_393 : memref<50x64xf32, #tpu.memory_space<vmem>>)
      %add3A_400 = arith.addi %mul3A_2, %mul3A_51 : i32
      %dma_start3A_401 = arith.constant 0 : i32
      %dma_start3A_402 = arith.constant 0 : i32
      %dma_start3A_403 = arith.constant 0 : i32
      %dma_start3A_404 = arith.constant 0 : i32
      %dma_start3A_405 = tpu.memref_slice %arg6[%dma_start3A_401, %dma_start3A_402, %dma_start3A_403, %dma_start3A_404] : memref<2x8x50x64xf32, #tpu.memory_space<vmem>> -> memref<1x8x50x64xf32, #tpu.memory_space<vmem>>
      %dma_start3A_406 = tpu.memref_squeeze %dma_start3A_405 : memref<1x8x50x64xf32, #tpu.memory_space<vmem>> -> memref<8x50x64xf32, #tpu.memory_space<vmem>>
      %dma_start3A_407 = arith.constant 0 : i32
      %dma_start3A_408 = arith.constant 0 : i32
      %dma_start3A_409 = tpu.memref_slice %arg4[%add3A_400, %dma_start3A_407, %dma_start3A_408] : memref<16384x56x128xf32, #tpu.memory_space<hbm>> -> memref<8x50x64xf32, #tpu.memory_space<hbm>>
      %dma_start3A_410 = arith.constant 0 : i32
      %dma_start3A_411 = arith.constant 0 : i32
      %dma_start3A_412 = tpu.memref_slice %arg4[%add3A_400, %dma_start3A_410, %dma_start3A_411] : memref<16384x56x128xf32, #tpu.memory_space<hbm>> -> memref<8x50x64xf32, #tpu.memory_space<hbm>>
      %dma_start3A_413 = arith.constant 0 : i32
      %dma_start3A_414 = arith.constant 0 : i32
      %dma_start3A_415 = arith.constant 0 : i32
      %dma_start3A_416 = tpu.memref_slice %arg6[%dma_start3A_401, %dma_start3A_413, %dma_start3A_414, %dma_start3A_415] : memref<2x8x50x64xf32, #tpu.memory_space<vmem>> -> memref<1x8x50x64xf32, #tpu.memory_space<vmem>>
      %dma_start3A_417 = tpu.memref_squeeze %dma_start3A_416 : memref<1x8x50x64xf32, #tpu.memory_space<vmem>> -> memref<8x50x64xf32, #tpu.memory_space<vmem>>
      tpu.enqueue_dma source(%dma_start3A_417 : memref<8x50x64xf32, #tpu.memory_space<vmem>>) target(%dma_start3A_412 : memref<8x50x64xf32, #tpu.memory_space<hbm>>) target_semaphore(%arg9 : memref<!tpu.dma_semaphore, #tpu.memory_space<semaphore_mem>>)
      %add3A_418 = arith.constant 0 : i32
      %add3A_419 = arith.addi %mul3A_57, %add3A_418 : i32
      %dma_wait3A_420 = arith.constant 1 : i32
      %dma_wait3A_421 = arith.constant 0 : i32
      %dma_wait3A_422 = arith.constant 0 : i32
      %dma_wait3A_423 = arith.constant 0 : i32
      %dma_wait3A_424 = tpu.memref_slice %arg6[%dma_wait3A_420, %dma_wait3A_421, %dma_wait3A_422, %dma_wait3A_423] : memref<2x8x50x64xf32, #tpu.memory_space<vmem>> -> memref<1x1x50x64xf32, #tpu.memory_space<vmem>>
      %dma_wait3A_425 = tpu.memref_squeeze %dma_wait3A_424 : memref<1x1x50x64xf32, #tpu.memory_space<vmem>> -> memref<50x64xf32, #tpu.memory_space<vmem>>
      %dma_wait3A_426 = arith.constant 0 : i32
      %dma_wait3A_427 = tpu.memref_slice %arg5[%add3A_419, %dma_wait3A_426] : memref<512x50xi32, #tpu.memory_space<vmem>> -> memref<1x50xi32, #tpu.memory_space<vmem>>
      %dma_wait3A_428 = tpu.memref_squeeze %dma_wait3A_427 : memref<1x50xi32, #tpu.memory_space<vmem>> -> memref<50xi32, #tpu.memory_space<vmem>>
      %dma_wait3A_429 = arith.constant 0 : i32
      %dma_wait3A_430 = arith.constant 0 : i32
      %dma_wait3A_431 = tpu.memref_slice %arg3[%dma_wait3A_429, %dma_wait3A_430] : memref<1000000x64xf32, #tpu.memory_space<hbm>> -> memref<1000000x64xf32, #tpu.memory_space<hbm>>
      tpu.wait_indirect_dma semaphore(%arg8 : memref<!tpu.dma_semaphore, #tpu.memory_space<semaphore_mem>>) src(%dma_wait3A_431 : memref<1000000x64xf32, #tpu.memory_space<hbm>>) dst(%dma_wait3A_425 : memref<50x64xf32, #tpu.memory_space<vmem>>)
      %add3A_432 = arith.constant 1 : i32
      %add3A_433 = arith.addi %mul3A_57, %add3A_432 : i32
      %dma_wait3A_434 = arith.constant 1 : i32
      %dma_wait3A_435 = arith.constant 1 : i32
      %dma_wait3A_436 = arith.constant 0 : i32
      %dma_wait3A_437 = arith.constant 0 : i32
      %dma_wait3A_438 = tpu.memref_slice %arg6[%dma_wait3A_434, %dma_wait3A_435, %dma_wait3A_436, %dma_wait3A_437] : memref<2x8x50x64xf32, #tpu.memory_space<vmem>> -> memref<1x1x50x64xf32, #tpu.memory_space<vmem>>
      %dma_wait3A_439 = tpu.memref_squeeze %dma_wait3A_438 : memref<1x1x50x64xf32, #tpu.memory_space<vmem>> -> memref<50x64xf32, #tpu.memory_space<vmem>>
      %dma_wait3A_440 = arith.constant 0 : i32
      %dma_wait3A_441 = tpu.memref_slice %arg5[%add3A_433, %dma_wait3A_440] : memref<512x50xi32, #tpu.memory_space<vmem>> -> memref<1x50xi32, #tpu.memory_space<vmem>>
      %dma_wait3A_442 = tpu.memref_squeeze %dma_wait3A_441 : memref<1x50xi32, #tpu.memory_space<vmem>> -> memref<50xi32, #tpu.memory_space<vmem>>
      %dma_wait3A_443 = arith.constant 0 : i32
      %dma_wait3A_444 = arith.constant 0 : i32
      %dma_wait3A_445 = tpu.memref_slice %arg3[%dma_wait3A_443, %dma_wait3A_444] : memref<1000000x64xf32, #tpu.memory_space<hbm>> -> memref<1000000x64xf32, #tpu.memory_space<hbm>>
      tpu.wait_indirect_dma semaphore(%arg8 : memref<!tpu.dma_semaphore, #tpu.memory_space<semaphore_mem>>) src(%dma_wait3A_445 : memref<1000000x64xf32, #tpu.memory_space<hbm>>) dst(%dma_wait3A_439 : memref<50x64xf32, #tpu.memory_space<vmem>>)
      %add3A_446 = arith.constant 2 : i32
      %add3A_447 = arith.addi %mul3A_57, %add3A_446 : i32
      %dma_wait3A_448 = arith.constant 1 : i32
      %dma_wait3A_449 = arith.constant 2 : i32
      %dma_wait3A_450 = arith.constant 0 : i32
      %dma_wait3A_451 = arith.constant 0 : i32
      %dma_wait3A_452 = tpu.memref_slice %arg6[%dma_wait3A_448, %dma_wait3A_449, %dma_wait3A_450, %dma_wait3A_451] : memref<2x8x50x64xf32, #tpu.memory_space<vmem>> -> memref<1x1x50x64xf32, #tpu.memory_space<vmem>>
      %dma_wait3A_453 = tpu.memref_squeeze %dma_wait3A_452 : memref<1x1x50x64xf32, #tpu.memory_space<vmem>> -> memref<50x64xf32, #tpu.memory_space<vmem>>
      %dma_wait3A_454 = arith.constant 0 : i32
      %dma_wait3A_455 = tpu.memref_slice %arg5[%add3A_447, %dma_wait3A_454] : memref<512x50xi32, #tpu.memory_space<vmem>> -> memref<1x50xi32, #tpu.memory_space<vmem>>
      %dma_wait3A_456 = tpu.memref_squeeze %dma_wait3A_455 : memref<1x50xi32, #tpu.memory_space<vmem>> -> memref<50xi32, #tpu.memory_space<vmem>>
      %dma_wait3A_457 = arith.constant 0 : i32
      %dma_wait3A_458 = arith.constant 0 : i32
      %dma_wait3A_459 = tpu.memref_slice %arg3[%dma_wait3A_457, %dma_wait3A_458] : memref<1000000x64xf32, #tpu.memory_space<hbm>> -> memref<1000000x64xf32, #tpu.memory_space<hbm>>
      tpu.wait_indirect_dma semaphore(%arg8 : memref<!tpu.dma_semaphore, #tpu.memory_space<semaphore_mem>>) src(%dma_wait3A_459 : memref<1000000x64xf32, #tpu.memory_space<hbm>>) dst(%dma_wait3A_453 : memref<50x64xf32, #tpu.memory_space<vmem>>)
      %add3A_460 = arith.constant 3 : i32
      %add3A_461 = arith.addi %mul3A_57, %add3A_460 : i32
      %dma_wait3A_462 = arith.constant 1 : i32
      %dma_wait3A_463 = arith.constant 3 : i32
      %dma_wait3A_464 = arith.constant 0 : i32
      %dma_wait3A_465 = arith.constant 0 : i32
      %dma_wait3A_466 = tpu.memref_slice %arg6[%dma_wait3A_462, %dma_wait3A_463, %dma_wait3A_464, %dma_wait3A_465] : memref<2x8x50x64xf32, #tpu.memory_space<vmem>> -> memref<1x1x50x64xf32, #tpu.memory_space<vmem>>
      %dma_wait3A_467 = tpu.memref_squeeze %dma_wait3A_466 : memref<1x1x50x64xf32, #tpu.memory_space<vmem>> -> memref<50x64xf32, #tpu.memory_space<vmem>>
      %dma_wait3A_468 = arith.constant 0 : i32
      %dma_wait3A_469 = tpu.memref_slice %arg5[%add3A_461, %dma_wait3A_468] : memref<512x50xi32, #tpu.memory_space<vmem>> -> memref<1x50xi32, #tpu.memory_space<vmem>>
      %dma_wait3A_470 = tpu.memref_squeeze %dma_wait3A_469 : memref<1x50xi32, #tpu.memory_space<vmem>> -> memref<50xi32, #tpu.memory_space<vmem>>
      %dma_wait3A_471 = arith.constant 0 : i32
      %dma_wait3A_472 = arith.constant 0 : i32
      %dma_wait3A_473 = tpu.memref_slice %arg3[%dma_wait3A_471, %dma_wait3A_472] : memref<1000000x64xf32, #tpu.memory_space<hbm>> -> memref<1000000x64xf32, #tpu.memory_space<hbm>>
      tpu.wait_indirect_dma semaphore(%arg8 : memref<!tpu.dma_semaphore, #tpu.memory_space<semaphore_mem>>) src(%dma_wait3A_473 : memref<1000000x64xf32, #tpu.memory_space<hbm>>) dst(%dma_wait3A_467 : memref<50x64xf32, #tpu.memory_space<vmem>>)
      %add3A_474 = arith.constant 4 : i32
      %add3A_475 = arith.addi %mul3A_57, %add3A_474 : i32
      %dma_wait3A_476 = arith.constant 1 : i32
      %dma_wait3A_477 = arith.constant 4 : i32
      %dma_wait3A_478 = arith.constant 0 : i32
      %dma_wait3A_479 = arith.constant 0 : i32
      %dma_wait3A_480 = tpu.memref_slice %arg6[%dma_wait3A_476, %dma_wait3A_477, %dma_wait3A_478, %dma_wait3A_479] : memref<2x8x50x64xf32, #tpu.memory_space<vmem>> -> memref<1x1x50x64xf32, #tpu.memory_space<vmem>>
      %dma_wait3A_481 = tpu.memref_squeeze %dma_wait3A_480 : memref<1x1x50x64xf32, #tpu.memory_space<vmem>> -> memref<50x64xf32, #tpu.memory_space<vmem>>
      %dma_wait3A_482 = arith.constant 0 : i32
      %dma_wait3A_483 = tpu.memref_slice %arg5[%add3A_475, %dma_wait3A_482] : memref<512x50xi32, #tpu.memory_space<vmem>> -> memref<1x50xi32, #tpu.memory_space<vmem>>
      %dma_wait3A_484 = tpu.memref_squeeze %dma_wait3A_483 : memref<1x50xi32, #tpu.memory_space<vmem>> -> memref<50xi32, #tpu.memory_space<vmem>>
      %dma_wait3A_485 = arith.constant 0 : i32
      %dma_wait3A_486 = arith.constant 0 : i32
      %dma_wait3A_487 = tpu.memref_slice %arg3[%dma_wait3A_485, %dma_wait3A_486] : memref<1000000x64xf32, #tpu.memory_space<hbm>> -> memref<1000000x64xf32, #tpu.memory_space<hbm>>
      tpu.wait_indirect_dma semaphore(%arg8 : memref<!tpu.dma_semaphore, #tpu.memory_space<semaphore_mem>>) src(%dma_wait3A_487 : memref<1000000x64xf32, #tpu.memory_space<hbm>>) dst(%dma_wait3A_481 : memref<50x64xf32, #tpu.memory_space<vmem>>)
      %add3A_488 = arith.constant 5 : i32
      %add3A_489 = arith.addi %mul3A_57, %add3A_488 : i32
      %dma_wait3A_490 = arith.constant 1 : i32
      %dma_wait3A_491 = arith.constant 5 : i32
      %dma_wait3A_492 = arith.constant 0 : i32
      %dma_wait3A_493 = arith.constant 0 : i32
      %dma_wait3A_494 = tpu.memref_slice %arg6[%dma_wait3A_490, %dma_wait3A_491, %dma_wait3A_492, %dma_wait3A_493] : memref<2x8x50x64xf32, #tpu.memory_space<vmem>> -> memref<1x1x50x64xf32, #tpu.memory_space<vmem>>
      %dma_wait3A_495 = tpu.memref_squeeze %dma_wait3A_494 : memref<1x1x50x64xf32, #tpu.memory_space<vmem>> -> memref<50x64xf32, #tpu.memory_space<vmem>>
      %dma_wait3A_496 = arith.constant 0 : i32
      %dma_wait3A_497 = tpu.memref_slice %arg5[%add3A_489, %dma_wait3A_496] : memref<512x50xi32, #tpu.memory_space<vmem>> -> memref<1x50xi32, #tpu.memory_space<vmem>>
      %dma_wait3A_498 = tpu.memref_squeeze %dma_wait3A_497 : memref<1x50xi32, #tpu.memory_space<vmem>> -> memref<50xi32, #tpu.memory_space<vmem>>
      %dma_wait3A_499 = arith.constant 0 : i32
      %dma_wait3A_500 = arith.constant 0 : i32
      %dma_wait3A_501 = tpu.memref_slice %arg3[%dma_wait3A_499, %dma_wait3A_500] : memref<1000000x64xf32, #tpu.memory_space<hbm>> -> memref<1000000x64xf32, #tpu.memory_space<hbm>>
      tpu.wait_indirect_dma semaphore(%arg8 : memref<!tpu.dma_semaphore, #tpu.memory_space<semaphore_mem>>) src(%dma_wait3A_501 : memref<1000000x64xf32, #tpu.memory_space<hbm>>) dst(%dma_wait3A_495 : memref<50x64xf32, #tpu.memory_space<vmem>>)
      %add3A_502 = arith.constant 6 : i32
      %add3A_503 = arith.addi %mul3A_57, %add3A_502 : i32
      %dma_wait3A_504 = arith.constant 1 : i32
      %dma_wait3A_505 = arith.constant 6 : i32
      %dma_wait3A_506 = arith.constant 0 : i32
      %dma_wait3A_507 = arith.constant 0 : i32
      %dma_wait3A_508 = tpu.memref_slice %arg6[%dma_wait3A_504, %dma_wait3A_505, %dma_wait3A_506, %dma_wait3A_507] : memref<2x8x50x64xf32, #tpu.memory_space<vmem>> -> memref<1x1x50x64xf32, #tpu.memory_space<vmem>>
      %dma_wait3A_509 = tpu.memref_squeeze %dma_wait3A_508 : memref<1x1x50x64xf32, #tpu.memory_space<vmem>> -> memref<50x64xf32, #tpu.memory_space<vmem>>
      %dma_wait3A_510 = arith.constant 0 : i32
      %dma_wait3A_511 = tpu.memref_slice %arg5[%add3A_503, %dma_wait3A_510] : memref<512x50xi32, #tpu.memory_space<vmem>> -> memref<1x50xi32, #tpu.memory_space<vmem>>
      %dma_wait3A_512 = tpu.memref_squeeze %dma_wait3A_511 : memref<1x50xi32, #tpu.memory_space<vmem>> -> memref<50xi32, #tpu.memory_space<vmem>>
      %dma_wait3A_513 = arith.constant 0 : i32
      %dma_wait3A_514 = arith.constant 0 : i32
      %dma_wait3A_515 = tpu.memref_slice %arg3[%dma_wait3A_513, %dma_wait3A_514] : memref<1000000x64xf32, #tpu.memory_space<hbm>> -> memref<1000000x64xf32, #tpu.memory_space<hbm>>
      tpu.wait_indirect_dma semaphore(%arg8 : memref<!tpu.dma_semaphore, #tpu.memory_space<semaphore_mem>>) src(%dma_wait3A_515 : memref<1000000x64xf32, #tpu.memory_space<hbm>>) dst(%dma_wait3A_509 : memref<50x64xf32, #tpu.memory_space<vmem>>)
      %add3A_516 = arith.constant 7 : i32
      %add3A_517 = arith.addi %mul3A_57, %add3A_516 : i32
      %dma_wait3A_518 = arith.constant 1 : i32
      %dma_wait3A_519 = arith.constant 7 : i32
      %dma_wait3A_520 = arith.constant 0 : i32
      %dma_wait3A_521 = arith.constant 0 : i32
      %dma_wait3A_522 = tpu.memref_slice %arg6[%dma_wait3A_518, %dma_wait3A_519, %dma_wait3A_520, %dma_wait3A_521] : memref<2x8x50x64xf32, #tpu.memory_space<vmem>> -> memref<1x1x50x64xf32, #tpu.memory_space<vmem>>
      %dma_wait3A_523 = tpu.memref_squeeze %dma_wait3A_522 : memref<1x1x50x64xf32, #tpu.memory_space<vmem>> -> memref<50x64xf32, #tpu.memory_space<vmem>>
      %dma_wait3A_524 = arith.constant 0 : i32
      %dma_wait3A_525 = tpu.memref_slice %arg5[%add3A_517, %dma_wait3A_524] : memref<512x50xi32, #tpu.memory_space<vmem>> -> memref<1x50xi32, #tpu.memory_space<vmem>>
      %dma_wait3A_526 = tpu.memref_squeeze %dma_wait3A_525 : memref<1x50xi32, #tpu.memory_space<vmem>> -> memref<50xi32, #tpu.memory_space<vmem>>
      %dma_wait3A_527 = arith.constant 0 : i32
      %dma_wait3A_528 = arith.constant 0 : i32
      %dma_wait3A_529 = tpu.memref_slice %arg3[%dma_wait3A_527, %dma_wait3A_528] : memref<1000000x64xf32, #tpu.memory_space<hbm>> -> memref<1000000x64xf32, #tpu.memory_space<hbm>>
      tpu.wait_indirect_dma semaphore(%arg8 : memref<!tpu.dma_semaphore, #tpu.memory_space<semaphore_mem>>) src(%dma_wait3A_529 : memref<1000000x64xf32, #tpu.memory_space<hbm>>) dst(%dma_wait3A_523 : memref<50x64xf32, #tpu.memory_space<vmem>>)
      %add3A_530 = arith.addi %mul3A_2, %mul3A_57 : i32
      %dma_start3A_531 = arith.constant 1 : i32
      %dma_start3A_532 = arith.constant 0 : i32
      %dma_start3A_533 = arith.constant 0 : i32
      %dma_start3A_534 = arith.constant 0 : i32
      %dma_start3A_535 = tpu.memref_slice %arg6[%dma_start3A_531, %dma_start3A_532, %dma_start3A_533, %dma_start3A_534] : memref<2x8x50x64xf32, #tpu.memory_space<vmem>> -> memref<1x8x50x64xf32, #tpu.memory_space<vmem>>
      %dma_start3A_536 = tpu.memref_squeeze %dma_start3A_535 : memref<1x8x50x64xf32, #tpu.memory_space<vmem>> -> memref<8x50x64xf32, #tpu.memory_space<vmem>>
      %dma_start3A_537 = arith.constant 0 : i32
      %dma_start3A_538 = arith.constant 0 : i32
      %dma_start3A_539 = tpu.memref_slice %arg4[%add3A_530, %dma_start3A_537, %dma_start3A_538] : memref<16384x56x128xf32, #tpu.memory_space<hbm>> -> memref<8x50x64xf32, #tpu.memory_space<hbm>>
      %dma_start3A_540 = arith.constant 0 : i32
      %dma_start3A_541 = arith.constant 0 : i32
      %dma_start3A_542 = tpu.memref_slice %arg4[%add3A_530, %dma_start3A_540, %dma_start3A_541] : memref<16384x56x128xf32, #tpu.memory_space<hbm>> -> memref<8x50x64xf32, #tpu.memory_space<hbm>>
      %dma_start3A_543 = arith.constant 0 : i32
      %dma_start3A_544 = arith.constant 0 : i32
      %dma_start3A_545 = arith.constant 0 : i32
      %dma_start3A_546 = tpu.memref_slice %arg6[%dma_start3A_531, %dma_start3A_543, %dma_start3A_544, %dma_start3A_545] : memref<2x8x50x64xf32, #tpu.memory_space<vmem>> -> memref<1x8x50x64xf32, #tpu.memory_space<vmem>>
      %dma_start3A_547 = tpu.memref_squeeze %dma_start3A_546 : memref<1x8x50x64xf32, #tpu.memory_space<vmem>> -> memref<8x50x64xf32, #tpu.memory_space<vmem>>
      tpu.enqueue_dma source(%dma_start3A_547 : memref<8x50x64xf32, #tpu.memory_space<vmem>>) target(%dma_start3A_542 : memref<8x50x64xf32, #tpu.memory_space<hbm>>) target_semaphore(%arg10 : memref<!tpu.dma_semaphore, #tpu.memory_space<semaphore_mem>>)
    }
    %scan3A_7 = arith.constant 32 : i32
    %add3A_8 = arith.constant 496 : i32
    %add3A_9 = arith.addi %mul3A_2, %add3A_8 : i32
    %dma_wait3A = arith.constant 0 : i32
    %dma_wait3A_10 = arith.constant 0 : i32
    %dma_wait3A_11 = arith.constant 0 : i32
    %dma_wait3A_12 = arith.constant 0 : i32
    %dma_wait3A_13 = tpu.memref_slice %arg6[%dma_wait3A, %dma_wait3A_10, %dma_wait3A_11, %dma_wait3A_12] : memref<2x8x50x64xf32, #tpu.memory_space<vmem>> -> memref<1x8x50x64xf32, #tpu.memory_space<vmem>>
    %dma_wait3A_14 = tpu.memref_squeeze %dma_wait3A_13 : memref<1x8x50x64xf32, #tpu.memory_space<vmem>> -> memref<8x50x64xf32, #tpu.memory_space<vmem>>
    %dma_wait3A_15 = arith.constant 0 : i32
    %dma_wait3A_16 = arith.constant 0 : i32
    %dma_wait3A_17 = tpu.memref_slice %arg4[%add3A_9, %dma_wait3A_15, %dma_wait3A_16] : memref<16384x56x128xf32, #tpu.memory_space<hbm>> -> memref<8x50x64xf32, #tpu.memory_space<hbm>>
    %dma_wait3A_18 = arith.constant 0 : i32
    %dma_wait3A_19 = arith.constant 0 : i32
    %dma_wait3A_20 = tpu.memref_slice %arg4[%add3A_9, %dma_wait3A_18, %dma_wait3A_19] : memref<16384x56x128xf32, #tpu.memory_space<hbm>> -> memref<8x50x64xf32, #tpu.memory_space<hbm>>
    %dma_wait3A_21 = arith.constant 0 : i32
    %dma_wait3A_22 = arith.constant 0 : i32
    %dma_wait3A_23 = arith.constant 0 : i32
    %dma_wait3A_24 = tpu.memref_slice %arg6[%dma_wait3A, %dma_wait3A_21, %dma_wait3A_22, %dma_wait3A_23] : memref<2x8x50x64xf32, #tpu.memory_space<vmem>> -> memref<1x8x50x64xf32, #tpu.memory_space<vmem>>
    %dma_wait3A_25 = tpu.memref_squeeze %dma_wait3A_24 : memref<1x8x50x64xf32, #tpu.memory_space<vmem>> -> memref<8x50x64xf32, #tpu.memory_space<vmem>>
    tpu.wait_dma2 semaphore(%arg9 : memref<!tpu.dma_semaphore, #tpu.memory_space<semaphore_mem>>) src(%dma_wait3A_25 : memref<8x50x64xf32, #tpu.memory_space<vmem>>) dst(%dma_wait3A_20 : memref<8x50x64xf32, #tpu.memory_space<hbm>>)
    %add3A_26 = arith.constant 504 : i32
    %add3A_27 = arith.addi %mul3A_2, %add3A_26 : i32
    %dma_wait3A_28 = arith.constant 1 : i32
    %dma_wait3A_29 = arith.constant 0 : i32
    %dma_wait3A_30 = arith.constant 0 : i32
    %dma_wait3A_31 = arith.constant 0 : i32
    %dma_wait3A_32 = tpu.memref_slice %arg6[%dma_wait3A_28, %dma_wait3A_29, %dma_wait3A_30, %dma_wait3A_31] : memref<2x8x50x64xf32, #tpu.memory_space<vmem>> -> memref<1x8x50x64xf32, #tpu.memory_space<vmem>>
    %dma_wait3A_33 = tpu.memref_squeeze %dma_wait3A_32 : memref<1x8x50x64xf32, #tpu.memory_space<vmem>> -> memref<8x50x64xf32, #tpu.memory_space<vmem>>
    %dma_wait3A_34 = arith.constant 0 : i32
    %dma_wait3A_35 = arith.constant 0 : i32
    %dma_wait3A_36 = tpu.memref_slice %arg4[%add3A_27, %dma_wait3A_34, %dma_wait3A_35] : memref<16384x56x128xf32, #tpu.memory_space<hbm>> -> memref<8x50x64xf32, #tpu.memory_space<hbm>>
    %dma_wait3A_37 = arith.constant 0 : i32
    %dma_wait3A_38 = arith.constant 0 : i32
    %dma_wait3A_39 = tpu.memref_slice %arg4[%add3A_27, %dma_wait3A_37, %dma_wait3A_38] : memref<16384x56x128xf32, #tpu.memory_space<hbm>> -> memref<8x50x64xf32, #tpu.memory_space<hbm>>
    %dma_wait3A_40 = arith.constant 0 : i32
    %dma_wait3A_41 = arith.constant 0 : i32
    %dma_wait3A_42 = arith.constant 0 : i32
    %dma_wait3A_43 = tpu.memref_slice %arg6[%dma_wait3A_28, %dma_wait3A_40, %dma_wait3A_41, %dma_wait3A_42] : memref<2x8x50x64xf32, #tpu.memory_space<vmem>> -> memref<1x8x50x64xf32, #tpu.memory_space<vmem>>
    %dma_wait3A_44 = tpu.memref_squeeze %dma_wait3A_43 : memref<1x8x50x64xf32, #tpu.memory_space<vmem>> -> memref<8x50x64xf32, #tpu.memory_space<vmem>>
    tpu.wait_dma2 semaphore(%arg10 : memref<!tpu.dma_semaphore, #tpu.memory_space<semaphore_mem>>) src(%dma_wait3A_44 : memref<8x50x64xf32, #tpu.memory_space<vmem>>) dst(%dma_wait3A_39 : memref<8x50x64xf32, #tpu.memory_space<hbm>>)
    return
  }
}

</mosaic_0001>

<sc_bundles>
// kernel: kernel.3.cloned.1.call-start
scs
__scs_entry_jumppad:
0x0: {  	(pc) =	sbr.rel $0x88, $3  }
0x1: {  	(tag) =	ssettag $0x0;
	lr =	simm.s32 $0x1  }
0x2: {  	[smem:$0x3F9F] =	sst lr;
	_ =	strace $0xD0000000  }
0x3: {  	_ = 	snop  }
0x4: {  	_ = 	snop  }
0x5: {  	_ = 	snop  }
0x6: {  	_ = 	snop  }
0x7: {  	_ = 	snop  }
__scs_overlays_trampoline_lowered:
0x8: {  	[smem:$0x3FAE] =	sst s0  }
0x9: {  	[smem:$0x3FAF] =	sst s1  }
0xa: {  	[smem:$0x3FB0] =	sst s2  }
0xb: {  	[smem:$0x3FB1] =	sst s3  }
0xc: {  	[smem:$0x3FB2] =	sst s4  }
0xd: {  	[smem:$0x3FB3] =	sst s5  }
0xe: {  	[smem:$0x3FB4] =	sst s6  }
0xf: {  	[smem:$0x3FB5] =	sst s7  }
0x10: {  	[smem:$0x3FB6] =	sst s8  }
0x11: {  	[smem:$0x3FB7] =	sst s9;
	s0 =	simm.s32 @!p0 $0x0  }
0x12: {  	s1 =	sld [smem:$0x3F9D];
	s0 =	simm.s32 @p0 $0x1  }
0x13: {  	[smem:$0x3FB8] =	sst s0;
	s0 =	simm.s32 @!p1 $0x0  }
0x14: {  	s2 =	sld [smem:$0x3F9C];
	s0 =	simm.s32 @p1 $0x1  }
0x15: {  	[smem:$0x3FB9] =	sst s0;
	s0 =	simm.s32 @!p2 $0x0  }
0x16: {  	s3 =	sld [smem:$0x3FDB];
	s0 =	simm.s32 @p2 $0x1  }
0x17: {  	s4 =	simm.s32 $0x1BF5;
	[smem:$0x3FBB] =	sst s0  }
0x18: {  	s0 =	sld [smem:$0x3F9E];
	_ =	swait.ge [sflag:s4], $0x0  }
0x19: {  	s7 =	sld [smem:$0x3F9F]  }
0x1a: {  	s8 =	sadd.s32 $0xFFFFE003, lr  }
0x1b: {  	s9 =	sadd.s32 $0xFFFFFEF7, lr;
	s5 =	simm.s32 $0xFFFFFFFF;
	p2 =	slt.u32 s8, $0xFFFFF086  }
0x1c: {  	p1 =	slt.u32 s9, $0xF7A;
	s5 =	simm.s32 @!p2 $0x0  }
0x1d: {  	s5 =	simm.s32 @p1 $0x1;
	p0 =	seq.s32 s7, s2  }
0x1e: {  	s7 =	smul.u32 @!p0 $0xF7A, s2;
	p2 =	seq.s32 @!p0 s5, $0x0  }
0x1f: {  	s9 =	smul.u32 $0xF7A, s1;
	s8 =	simm.s32 @!p0 $0x1BF5;
	p2 =	por !p2, p0  }
0x20: {  	[sflag:s8] =	ssyncset.s32 @!p0 $0xFFFFF086;
	s6 =	sadd.s32 @!p0 s3, s7;
	s7 =	simm.s32 @!p0 $0x108  }
0x21: {  	s3 =	sadd.s32 s3, s9;
	s6 =	sadd.s32 @!p0 $0x88, s6;
	s7 =	simm.s32 @p2 $0x1082  }
0x22: {  	[simem:s7], [sflag:s8] =	dma.local @!p0 [hbm:s6], $0xF7A  }
0x23: {  	s9 =	sor.u32 $0xD0000000, s2;
	s6 =	simm.s32 $0x108;
	_ =	swait.ge @!p0 [sflag:s8], $0x0  }
0x24: {  	s3 =	sadd.s32 $0x88, s3;
	s6 =	simm.s32 @!p1 $0x1082;
	[sflag:s4] =	ssyncset.s32 $0xFFFFF086  }
0x25: {  	[simem:s6], [sflag:s4] =	dma.local [hbm:s3], $0xF7A  }
0x26: {  	[smem:$0x3F9F] =	sst s1;
	(tag) =	ssettag s2;
	_ =	strace s9  }
0x27: {  	s1 =	sld [smem:$0x3FAF]  }
0x28: {  	s2 =	sld [smem:$0x3FB0]  }
0x29: {  	s4 =	sld [smem:$0x3FB2]  }
0x2a: {  	p0 =	seq.s32 s5, $0x0;
	s5 =	sld [smem:$0x3FB3]  }
0x2b: {  	s6 =	sld [smem:$0x3FB4]  }
0x2c: {  	s7 =	sld [smem:$0x3FB5]  }
0x2d: {  	s3 =	simm.s32 $0x108;
	s8 =	sld [smem:$0x3FB6]  }
0x2e: {  	s3 =	simm.s32 @!p0 $0x1082;
	s9 =	sld [smem:$0x3FB7]  }
0x2f: {  	lr =	sadd.s32 s0, s3;
	s0 =	sld [smem:$0x3FAE]  }
0x30: {  	s3 =	sld [smem:$0x3FB1]  }
0x31: {  	[smem:$0x3FBA] =	sst s10  }
0x32: {  	s10 =	sld [smem:$0x3FB8];
	_ =	sdelay $0x3  }
0x33: {  	p0 =	seq.s32 s10, $0x1;
	s10 =	sld [smem:$0x3FBA];
	_ =	sdelay $0x3  }
0x34: {  	[smem:$0x3FBA] =	sst s10  }
0x35: {  	s10 =	sld [smem:$0x3FB9];
	_ =	sdelay $0x3  }
0x36: {  	p1 =	seq.s32 s10, $0x1;
	s10 =	sld [smem:$0x3FBA];
	_ =	sdelay $0x3  }
0x37: {  	[smem:$0x3FBA] =	sst s10  }
0x38: {  	s10 =	sld [smem:$0x3FBB]  }
0x39: {  	_ = 	snop;
	(pc) =	sbr.ind lr, $3  }
0x3a: {  	_ = 	snop  }
0x3b: {  	_ = 	snop  }
0x3c: {  	p2 =	seq.s32 s10, $0x1;
	s10 =	sld [smem:$0x3FBA]  }
0x3d: {  	_ =	shalt  }
0x3e: {  	_ =	shalt  }
0x3f: {  	_ =	shalt  }
0x40: {  	_ =	shalt  }
0x41: {  	_ =	shalt  }
0x42: {  	_ =	shalt  }
0x43: {  	_ =	shalt  }
0x44: {  	_ =	shalt  }
0x45: {  	_ =	shalt  }
0x46: {  	_ =	shalt  }
0x47: {  	_ =	shalt  }
0x48: {  	_ =	shalt  }
0x49: {  	_ =	shalt  }
0x4a: {  	_ =	shalt  }
0x4b: {  	_ =	shalt  }
0x4c: {  	_ =	shalt  }
0x4d: {  	_ =	shalt  }
0x4e: {  	_ =	shalt  }
0x4f: {  	_ =	shalt  }
0x50: {  	_ =	shalt  }
0x51: {  	_ =	shalt  }
0x52: {  	_ =	shalt  }
0x53: {  	_ =	shalt  }
0x54: {  	_ =	shalt  }
0x55: {  	_ =	shalt  }
0x56: {  	_ =	shalt  }
0x57: {  	_ =	shalt  }
0x58: {  	_ =	shalt  }
0x59: {  	_ =	shalt  }
0x5a: {  	_ =	shalt  }
0x5b: {  	_ =	shalt  }
0x5c: {  	_ =	shalt  }
0x5d: {  	_ =	shalt  }
0x5e: {  	_ =	shalt  }
0x5f: {  	_ =	shalt  }
0x60: {  	_ =	shalt  }
0x61: {  	_ =	shalt  }
0x62: {  	_ =	shalt  }
0x63: {  	_ =	shalt  }
0x64: {  	_ =	shalt  }
0x65: {  	_ =	shalt  }
0x66: {  	_ =	shalt  }
0x67: {  	_ =	shalt  }
0x68: {  	_ =	shalt  }
0x69: {  	_ =	shalt  }
0x6a: {  	_ =	shalt  }
0x6b: {  	_ =	shalt  }
0x6c: {  	_ =	shalt  }
0x6d: {  	_ =	shalt  }
0x6e: {  	_ =	shalt  }
0x6f: {  	_ =	shalt  }
0x70: {  	_ =	shalt  }
0x71: {  	_ =	shalt  }
0x72: {  	_ =	shalt  }
0x73: {  	_ =	shalt  }
0x74: {  	_ =	shalt  }
0x75: {  	_ =	shalt  }
0x76: {  	_ =	shalt  }
0x77: {  	_ =	shalt  }
0x78: {  	_ =	shalt  }
0x79: {  	_ =	shalt  }
0x7a: {  	_ =	shalt  }
0x7b: {  	_ =	shalt  }
0x7c: {  	_ =	shalt  }
0x7d: {  	_ =	shalt  }
0x7e: {  	_ =	shalt  }
0x7f: {  	_ =	shalt  }
0x80: {  	_ =	shalt  }
0x81: {  	_ =	shalt  }
0x82: {  	_ =	shalt  }
0x83: {  	_ =	shalt  }
0x84: {  	_ =	shalt  }
0x85: {  	_ =	shalt  }
0x86: {  	_ =	shalt  }
0x87: {  	_ =	shalt  }
.Lfunc_end0:
.L_simem_size_0:
called_computation.1_lowered:
.L_overlay_start_0:
0x88: {  	s2 =	sld [smem:$0x3FD9]  }
0x89: {  	s3 =	sld [smem:$0x3FFE];
	_ =	sdelay $0x1  }
0x8a: {  	s1 =	srdreg.scid  }
0x8b: {  	s0 =	sand.u32 $0x1, s1  }
0x8c: {  	s17 =	sshll.u32 s0, $0xA;
	s2 =	sadd.s32 s3, s2  }
0x8d: {  	s2 =	sadd.s32 s2, s17  }
0x8e: {  	[smem:$0x3FC6] =	sst s2  }
0x8f: {  	_ = 	snop  }
0x90: {  	s2 =	sld [smem:$0x3FD0];
	(tm) =	ssettm $0x1  }
0x91: {  	s18 =	sld [smem:$0x3FFB];
	_ =	sdelay $0x3  }
0x92: {  	_ =	strace s18  }
0x93: {  	s3 =	sld [smem:$0x3FFC];
	_ =	sdelay $0x3  }
0x94: {  	_ =	strace s3  }
0x95: {  	s3 =	sld [smem:$0x3FFD];
	_ =	sdelay $0x3  }
0x96: {  	_ =	strace s3  }
0x97: {  	_ =	strace $0x8FFFFFFF  }
0x98: {  	s19 =	sld [smem:$0x3FDB];
	_ =	sdelay $0x1  }
0x99: {  	s4 =	simm.s32 $_scs_section_size  }
0x9a: {  	s5 =	simm.s32 $_size__tile_overlayer_lowered;
	s6 =	simm.s32 $_tile_overlayer_lowered  }
0x9b: {  	s22 =	simm.s32 $0x1BFF;
	s21 =	sshll.u32 s6, $0x1;
	s3 =	sadd.s32 s4, s19  }
0x9c: {  	s7 =	simm.s32 $0x0;
	s20 =	sshll.u32 s5, $0x1;
	s5 =	sadd.s32 s21, s3  }
0x9d: {  	[timem:s7], [sflag:s22] =	dma.local [hbm:s5], s20  }
0x9e: {  	_ =	swait.ge [sflag:s22], s20  }
0x9f: {  	s4 =	ssub.s32 $0x0, s20;
	[sflag:s22] =	ssyncset.done $0x0  }
0xa0: {  	[sflag:s22] =	ssyncadd.s32 s4;
	_ =	sdelay $0x1  }
0xa1: {  	s23 =	simm.s32 $0x1B8B  }
0xa2: {  	_ =	swait.ge [sflag:s23], $0x1  }
0xa3: {  	[sflag:s23] =	ssyncset.done $0x0  }
0xa4: {  	s25 =	simm.s32 $0x1B8E;
	s24 =	sld [smem:$0x3FFE];
	[sflag:s23] =	ssyncadd.s32 $0xFFFFFFFF  }
0xa5: {  	s26 =	simm.s32 $execute0_lowered;
	[smem:$0x3FD2] =	sst s25  }
0xa6: {  	s5 =	sshll.u32 s26, $0x1;
	_ =	strace $0x80000046;
	[dreg:$0x1] =	wrdreg $0xFFFFFFFF  }
0xa7: {  	s28 =	simm.s32 $_size_execute0_lowered;
	s3 =	sadd.s32 s3, s5;
	[dreg:$0x0] =	wrdreg $0x0  }
0xa8: {  	s5 =	sshll.u32 s28, $0x1;
	[dreg:$0x2] =	wrdreg s3  }
0xa9: {  	[dreg:$0x3] =	wrdreg s5  }
0xaa: {  	[dreg:$0x4] =	wrdreg $0xC0  }
0xab: {  	_ =	task [dreg:s7], $0x5FFFF  }
0xac: {  	[dreg:$0x1] =	wrdreg $0xFFFFFFFF  }
0xad: {  	[dreg:$0x0] =	wrdreg $0x60  }
0xae: {  	[dreg:$0x2] =	wrdreg s2  }
0xaf: {  	[dreg:$0x3] =	wrdreg s24  }
0xb0: {  	[dreg:$0x4] =	wrdreg $0x9  }
0xb1: {  	_ =	task.clear_ibuf [dreg:s7], $0x5FFFF;
	_ =	strace $0x90000046  }
0xb2: {  	s29 =	simm.s32 $0x9;
	_ =	strace $0x80000048  }
0xb3: {  	_ =	swait.ge [sflag:s29], $0x1  }
0xb4: {  	[sflag:s29] =	ssyncadd.s32 $0xFFFFFFFF  }
0xb5: {  	_ =	strace $0x90000048  }
0xb6: {  	_ =	sfence  }
0xb7: {  	s30 =	sld [smem:$0x0];
	_ =	sdelay $0x2  }
0xb8: {  	s31 =	sshll.u32 s1, $0xD;
	s1 =	sshrl.u32 s1, $0x2  }
0xb9: {  	s3 =	sand.u32 $0x4000, s31;
	s1 =	sadd.s32 s1, s30  }
0xba: {  	s0 =	sor.u32 s3, s0;
	s1 =	sshll.u32 s1, $0x11  }
0xbb: {  	s0 =	sor.u32 s1, s0  }
0xbc: {  	s0 =	sadd.s32 $0x8F2B, s0  }
0xbd: {  	[sflag:s0] =	ssyncadd.remote.s32 $0x1  }
0xbe: {  	_ =	sfence.sel $0xFFFF  }
0xbf: {  	[dreg:$0x0] =	wrdreg $0xFFFFFFFF;
	(pc) =	sbr.abs _section_cstart, $3  }
0xc0: {  	[dreg:$0x1] =	wrdreg $0xFFFFFFFF  }
0xc1: {  	_ =	task.clear_ibuf [dreg:s7], $0x2FFFF;
	_ =	strace $0x9FFFFFFF  }
0xc2: {  	(tm) =	ssettm $0x7FFFFFFF  }
0xc3: {  	_ =	shalt  }
tec
execute0_lowered:
.L_overlay_start_1:
0x0: {  	(tag) =	ssettag $0x1  }
0x1: {  	s0 =	rddreg [dreg:$0x0]  }
0x2: {  	s1 =	srdreg.scid;
	s2 =	rddreg [dreg:$0x1]  }
0x3: {  	s5 =	stileid.u32;
	s6 =	simm.s32 $0x0;
	s8 =	simm.s32 $0x32  }
0x4: {  	s9 =	simm.s32 $0x7000;
	s10 =	simm.s32 $0x7C80;
	s11 =	simm.s32 $0x8900  }
0x5: {  	s12 =	simm.s32 $0x9580;
	s13 =	simm.s32 $0xA200;
	s14 =	simm.s32 $0xAE80  }
0x6: {  	s15 =	simm.s32 $0xBB00;
	s16 =	simm.s32 $0xC780;
	s17 =	simm.s32 $0xD400  }
0x7: {  	s18 =	simm.s32 $0xE080;
	s19 =	simm.s32 $0xED00;
	s20 =	simm.s32 $0xF980  }
0x8: {  	s21 =	simm.s32 $0x10600;
	s22 =	simm.s32 $0x11280;
	s23 =	simm.s32 $0x11F00  }
0x9: {  	s28 =	simm.s32 $0x80;
	s29 =	simm.s32 $0x2;
	s31 =	simm.s32 $0x4  }
0xa: {  	s1 =	sand.u32 $0x1, s1;
	s3 =	sshll.u32 s5, $0xA;
	[smem:$0x7FF] =	sst s6  }
0xb: {  	s5 =	smul.u32 $0xE0000, s5;
	s4 =	sshll.u32 s1, $0x9;
	_ =	strace $0x80000047  }
0xc: {  	s24 =	ssub.s32 $0x2, s1;
	s1 =	smul.u32 $0x70000, s1;
	s3 =	sor.u32 s4, s3  }
0xd: {  	s25 =	sshrl.u32 s24, $0x1;
	s4 =	smul.u32 $0x7, s3;
	s3 =	sadd.s32 $0xF42E00, s2  }
0xe: {  	s2 =	sadd.s32 s5, s2;
	s5 =	ssub.s32 s24, s25;
	s24 =	simm.s32 $0x12B80  }
0xf: {  	s25 =	simm.s32 $0x1;
	s26 =	sadd.s32 s1, s2;
	s30 =	smax.u32 s5, $0x1  }
0x10: {  	s0 =	sadd.s32 s0, s4;
	[dreg:$0x4] =	wrdreg s30;
	s6 =	sadd.s32 $0xA00, s26  }
0x11: {  	s26 =	simm.s32 $0x40;
	[dreg:$0x3] =	wrdreg s0;
	s0 =	simm.s32 $0x0  }
.LBB2_1:
0x12: {  	s1 =	simm.s32 $0x0;
	s2 =	rddreg [dreg:$0x3];
	s30 =	simm.s32 $0x5  }
0x13: {  	[tilespmem:s1], [sflag:$0x5] =	stream.linear.gather [hbm4b:s2+s1], $0x7000, $0x38;
	[tilespmem:$0x13800] =	vst v63  }
0x14: {  	p0 =	por $0x1, $0x1;
	_ =	swait.ge [sflag:s30], $0x7000  }
0x15: {  	p0 =	por p0, p0;
	[sflag:s30] =	ssyncset.done $0x0  }
0x16: {  	s1 =	simm.s32 @!p0 $0x3;
	[sflag:s30] =	ssyncadd.s32 $0xFFFF9000  }
0x17: {  	_ =	swait.ge @!p0 [sflag:s1], $0x6400  }
0x18: {  	[sflag:s1] =	ssyncset.done @!p0 $0x0  }
0x19: {  	s2 =	simm.s32 $0x0;
	[sflag:s1] =	ssyncadd.s32 @!p0 $0xFFFF9C00  }
0x1a: {  	[tilespmem:s9], [sflag:$0x1] =	stream.indirect.gather [hbm4b:s3+s8], $0x40, s2, s8, $0xb8;
	[tilespmem:$0x13800] =	vst v63  }
0x1b: {  	s4 =	simm.s32 $0x38  }
0x1c: {  	[tilespmem:s10], [sflag:$0x1] =	stream.indirect.gather [hbm4b:s3+s8], $0x40, s4, s8, $0xb8;
	[tilespmem:$0x13800] =	vst v63  }
0x1d: {  	s5 =	simm.s32 $0x70  }
0x1e: {  	[tilespmem:s11], [sflag:$0x1] =	stream.indirect.gather [hbm4b:s3+s8], $0x40, s5, s8, $0xb8;
	[tilespmem:$0x13800] =	vst v63  }
0x1f: {  	s7 =	simm.s32 $0xA8  }
0x20: {  	[tilespmem:s12], [sflag:$0x1] =	stream.indirect.gather [hbm4b:s3+s8], $0x40, s7, s8, $0xb8;
	[tilespmem:$0x13800] =	vst v63  }
0x21: {  	s30 =	simm.s32 $0xE0  }
0x22: {  	[tilespmem:s13], [sflag:$0x1] =	stream.indirect.gather [hbm4b:s3+s8], $0x40, s30, s8, $0xb8;
	[tilespmem:$0x13800] =	vst v63  }
0x23: {  	s2 =	simm.s32 $0x118  }
0x24: {  	[tilespmem:s14], [sflag:$0x1] =	stream.indirect.gather [hbm4b:s3+s8], $0x40, s2, s8, $0xb8;
	[tilespmem:$0x13800] =	vst v63  }
0x25: {  	s4 =	simm.s32 $0x150  }
0x26: {  	[tilespmem:s15], [sflag:$0x1] =	stream.indirect.gather [hbm4b:s3+s8], $0x40, s4, s8, $0xb8;
	[tilespmem:$0x13800] =	vst v63  }
0x27: {  	s5 =	simm.s32 $0x188;
	s2 =	simm.s32 @!p0 $0x4  }
0x28: {  	[tilespmem:s16], [sflag:$0x1] =	stream.indirect.gather [hbm4b:s3+s8], $0x40, s5, s8, $0xb8;
	[tilespmem:$0x13800] =	vst v63  }
0x29: {  	_ =	swait.ge @!p0 [sflag:s2], $0x6400  }
0x2a: {  	[sflag:s2] =	ssyncset.done @!p0 $0x0  }
0x2b: {  	s7 =	simm.s32 $0x1C0;
	[sflag:s2] =	ssyncadd.s32 @!p0 $0xFFFF9C00  }
0x2c: {  	[tilespmem:s17], [sflag:$0x2] =	stream.indirect.gather [hbm4b:s3+s8], $0x40, s7, s8, $0xb8;
	[tilespmem:$0x13800] =	vst v63  }
0x2d: {  	s30 =	simm.s32 $0x1F8  }
0x2e: {  	[tilespmem:s18], [sflag:$0x2] =	stream.indirect.gather [hbm4b:s3+s8], $0x40, s30, s8, $0xb8;
	[tilespmem:$0x13800] =	vst v63  }
0x2f: {  	s2 =	simm.s32 $0x230  }
0x30: {  	[tilespmem:s19], [sflag:$0x2] =	stream.indirect.gather [hbm4b:s3+s8], $0x40, s2, s8, $0xb8;
	[tilespmem:$0x13800] =	vst v63  }
0x31: {  	s4 =	simm.s32 $0x268  }
0x32: {  	[tilespmem:s20], [sflag:$0x2] =	stream.indirect.gather [hbm4b:s3+s8], $0x40, s4, s8, $0xb8;
	[tilespmem:$0x13800] =	vst v63  }
0x33: {  	s5 =	simm.s32 $0x2A0  }
0x34: {  	[tilespmem:s21], [sflag:$0x2] =	stream.indirect.gather [hbm4b:s3+s8], $0x40, s5, s8, $0xb8;
	[tilespmem:$0x13800] =	vst v63  }
0x35: {  	s7 =	simm.s32 $0x2D8  }
0x36: {  	[tilespmem:s22], [sflag:$0x2] =	stream.indirect.gather [hbm4b:s3+s8], $0x40, s7, s8, $0xb8;
	[tilespmem:$0x13800] =	vst v63  }
0x37: {  	s30 =	simm.s32 $0x310  }
0x38: {  	[tilespmem:s23], [sflag:$0x2] =	stream.indirect.gather [hbm4b:s3+s8], $0x40, s30, s8, $0xb8;
	[tilespmem:$0x13800] =	vst v63  }
0x39: {  	s2 =	simm.s32 $0x348  }
0x3a: {  	[tilespmem:s24], [sflag:$0x2] =	stream.indirect.gather [hbm4b:s3+s8], $0x40, s2, s8, $0xb8;
	[tilespmem:$0x13800] =	vst v63  }
0x3b: {  	_ =	swait.ge [sflag:s25], $0xC80  }
0x3c: {  	[sflag:s25] =	ssyncset.done $0x0  }
0x3d: {  	[sflag:s25] =	ssyncadd.s32 $0xFFFFF380  }
0x3e: {  	_ =	swait.ge [sflag:s25], $0xC80  }
0x3f: {  	[sflag:s25] =	ssyncset.done $0x0  }
0x40: {  	[sflag:s25] =	ssyncadd.s32 $0xFFFFF380  }
0x41: {  	_ =	swait.ge [sflag:s25], $0xC80  }
0x42: {  	[sflag:s25] =	ssyncset.done $0x0  }
0x43: {  	[sflag:s25] =	ssyncadd.s32 $0xFFFFF380  }
0x44: {  	_ =	swait.ge [sflag:s25], $0xC80  }
0x45: {  	[sflag:s25] =	ssyncset.done $0x0  }
0x46: {  	[sflag:s25] =	ssyncadd.s32 $0xFFFFF380  }
0x47: {  	_ =	swait.ge [sflag:s25], $0xC80  }
0x48: {  	[sflag:s25] =	ssyncset.done $0x0  }
0x49: {  	[sflag:s25] =	ssyncadd.s32 $0xFFFFF380  }
0x4a: {  	_ =	swait.ge [sflag:s25], $0xC80  }
0x4b: {  	[sflag:s25] =	ssyncset.done $0x0  }
0x4c: {  	[sflag:s25] =	ssyncadd.s32 $0xFFFFF380  }
0x4d: {  	_ =	swait.ge [sflag:s25], $0xC80  }
0x4e: {  	[sflag:s25] =	ssyncset.done $0x0  }
0x4f: {  	[sflag:s25] =	ssyncadd.s32 $0xFFFFF380  }
0x50: {  	_ =	swait.ge [sflag:s25], $0xC80  }
0x51: {  	[sflag:s25] =	ssyncset.done $0x0  }
0x52: {  	[sflag:s25] =	ssyncadd.s32 $0xFFFFF380  }
0x53: {  	[hbm4b:s6+s26] =	stream.strided.scatter [tilespmem:s9], [sflag:$0x3], $0xC80, s28, s26, $0x38;
	[tilespmem:$0x13800] =	vst v63  }
0x54: {  	s4 =	sadd.s32 $0x380, s6  }
0x55: {  	[hbm4b:s4+s26] =	stream.strided.scatter [tilespmem:s10], [sflag:$0x3], $0xC80, s28, s26, $0x38;
	[tilespmem:$0x13800] =	vst v63  }
0x56: {  	s5 =	sadd.s32 $0x700, s6  }
0x57: {  	[hbm4b:s5+s26] =	stream.strided.scatter [tilespmem:s11], [sflag:$0x3], $0xC80, s28, s26, $0x38;
	[tilespmem:$0x13800] =	vst v63  }
0x58: {  	s7 =	sadd.s32 $0xA80, s6  }
0x59: {  	[hbm4b:s7+s26] =	stream.strided.scatter [tilespmem:s12], [sflag:$0x3], $0xC80, s28, s26, $0x38;
	[tilespmem:$0x13800] =	vst v63  }
0x5a: {  	s30 =	sadd.s32 $0xE00, s6  }
0x5b: {  	[hbm4b:s30+s26] =	stream.strided.scatter [tilespmem:s13], [sflag:$0x3], $0xC80, s28, s26, $0x38;
	[tilespmem:$0x13800] =	vst v63  }
0x5c: {  	s2 =	sadd.s32 $0x1180, s6  }
0x5d: {  	[hbm4b:s2+s26] =	stream.strided.scatter [tilespmem:s14], [sflag:$0x3], $0xC80, s28, s26, $0x38;
	[tilespmem:$0x13800] =	vst v63  }
0x5e: {  	s4 =	sadd.s32 $0x1500, s6  }
0x5f: {  	[hbm4b:s4+s26] =	stream.strided.scatter [tilespmem:s15], [sflag:$0x3], $0xC80, s28, s26, $0x38;
	[tilespmem:$0x13800] =	vst v63  }
0x60: {  	s5 =	sadd.s32 $0x1880, s6  }
0x61: {  	[hbm4b:s5+s26] =	stream.strided.scatter [tilespmem:s16], [sflag:$0x3], $0xC80, s28, s26, $0x38;
	[tilespmem:$0x13800] =	vst v63  }
0x62: {  	_ =	swait.ge [sflag:s29], $0xC80  }
0x63: {  	[sflag:s29] =	ssyncset.done $0x0  }
0x64: {  	[sflag:s29] =	ssyncadd.s32 $0xFFFFF380  }
0x65: {  	_ =	swait.ge [sflag:s29], $0xC80  }
0x66: {  	[sflag:s29] =	ssyncset.done $0x0  }
0x67: {  	[sflag:s29] =	ssyncadd.s32 $0xFFFFF380  }
0x68: {  	_ =	swait.ge [sflag:s29], $0xC80  }
0x69: {  	[sflag:s29] =	ssyncset.done $0x0  }
0x6a: {  	[sflag:s29] =	ssyncadd.s32 $0xFFFFF380  }
0x6b: {  	_ =	swait.ge [sflag:s29], $0xC80  }
0x6c: {  	[sflag:s29] =	ssyncset.done $0x0  }
0x6d: {  	[sflag:s29] =	ssyncadd.s32 $0xFFFFF380  }
0x6e: {  	_ =	swait.ge [sflag:s29], $0xC80  }
0x6f: {  	[sflag:s29] =	ssyncset.done $0x0  }
0x70: {  	[sflag:s29] =	ssyncadd.s32 $0xFFFFF380  }
0x71: {  	_ =	swait.ge [sflag:s29], $0xC80  }
0x72: {  	[sflag:s29] =	ssyncset.done $0x0  }
0x73: {  	[sflag:s29] =	ssyncadd.s32 $0xFFFFF380  }
0x74: {  	_ =	swait.ge [sflag:s29], $0xC80  }
0x75: {  	[sflag:s29] =	ssyncset.done $0x0  }
0x76: {  	[sflag:s29] =	ssyncadd.s32 $0xFFFFF380  }
0x77: {  	_ =	swait.ge [sflag:s29], $0xC80  }
0x78: {  	[sflag:s29] =	ssyncset.done $0x0  }
0x79: {  	s7 =	sadd.s32 $0x1C00, s6;
	[sflag:s29] =	ssyncadd.s32 $0xFFFFF380  }
0x7a: {  	[hbm4b:s7+s26] =	stream.strided.scatter [tilespmem:s17], [sflag:$0x4], $0xC80, s28, s26, $0x38;
	[tilespmem:$0x13800] =	vst v63  }
0x7b: {  	s30 =	sadd.s32 $0x1F80, s6  }
0x7c: {  	[hbm4b:s30+s26] =	stream.strided.scatter [tilespmem:s18], [sflag:$0x4], $0xC80, s28, s26, $0x38;
	[tilespmem:$0x13800] =	vst v63  }
0x7d: {  	s2 =	sadd.s32 $0x2300, s6  }
0x7e: {  	[hbm4b:s2+s26] =	stream.strided.scatter [tilespmem:s19], [sflag:$0x4], $0xC80, s28, s26, $0x38;
	[tilespmem:$0x13800] =	vst v63  }
0x7f: {  	s4 =	sadd.s32 $0x2680, s6  }
0x80: {  	[hbm4b:s4+s26] =	stream.strided.scatter [tilespmem:s20], [sflag:$0x4], $0xC80, s28, s26, $0x38;
	[tilespmem:$0x13800] =	vst v63  }
0x81: {  	p6 =	por $0x0, $0x0;
	s1 =	sadd.s32 $0x3800, s6;
	s5 =	sadd.s32 $0x2A00, s6  }
0x82: {  	[hbm4b:s5+s26] =	stream.strided.scatter [tilespmem:s21], [sflag:$0x4], $0xC80, s28, s26, $0x38;
	[tilespmem:$0x13800] =	vst v63  }
0x83: {  	p0 =	por p6, p6;
	s7 =	sadd.s32 $0x2D80, s6;
	s30 =	sadd.s32 $0x3100, s6  }
0x84: {  	[hbm4b:s7+s26] =	stream.strided.scatter [tilespmem:s22], [sflag:$0x4], $0xC80, s28, s26, $0x38;
	[tilespmem:$0x13800] =	vst v63  }
0x85: {  	s2 =	simm.s32 $0xE00;
	s4 =	simm.s32 $0x1C00;
	s5 =	sadd.s32 $0x3480, s6  }
0x86: {  	[hbm4b:s30+s26] =	stream.strided.scatter [tilespmem:s23], [sflag:$0x4], $0xC80, s28, s26, $0x38;
	[tilespmem:$0x13800] =	vst v63  }
.LBB2_2:
0x87: {  	[hbm4b:s5+s26] =	stream.strided.scatter [tilespmem:s24], [sflag:$0x4], $0xC80, s28, s26, $0x38;
	[tilespmem:$0x13800] =	vst v63  }
0x88: {  	s7 =	smov.u32 s4  }
0x89: {  	s4 =	sadd.s32 $0xE00, s4;
	s5 =	simm.s32 @!p0 $0x3;
	p2 =	seq.s32 s7, $0x0  }
0x8a: {  	p1 =	sne.s32 s4, $0x1C000;
	_ =	swait.ge @!p0 [sflag:s5], $0x6400  }
0x8b: {  	[sflag:s5] =	ssyncset.done @!p0 $0x0  }
0x8c: {  	[sflag:s5] =	ssyncadd.s32 @!p0 $0xFFFF9C00;
	s5 =	sshra.s32 s2, $0x2;
	s2 =	smov.u32 s7  }
0x8d: {  	[tilespmem:s9], [sflag:$0x1] =	stream.indirect.gather [hbm4b:s3+s8], $0x40, s5, s8, $0xb8;
	[tilespmem:$0x13800] =	vst v63  }
0x8e: {  	s7 =	sadd.s32 $0x38, s5  }
0x8f: {  	[tilespmem:s10], [sflag:$0x1] =	stream.indirect.gather [hbm4b:s3+s8], $0x40, s7, s8, $0xb8;
	[tilespmem:$0x13800] =	vst v63  }
0x90: {  	s7 =	sadd.s32 $0x70, s5  }
0x91: {  	[tilespmem:s11], [sflag:$0x1] =	stream.indirect.gather [hbm4b:s3+s8], $0x40, s7, s8, $0xb8;
	[tilespmem:$0x13800] =	vst v63  }
0x92: {  	s7 =	sadd.s32 $0xA8, s5  }
0x93: {  	[tilespmem:s12], [sflag:$0x1] =	stream.indirect.gather [hbm4b:s3+s8], $0x40, s7, s8, $0xb8;
	[tilespmem:$0x13800] =	vst v63  }
0x94: {  	s7 =	sadd.s32 $0xE0, s5  }
0x95: {  	[tilespmem:s13], [sflag:$0x1] =	stream.indirect.gather [hbm4b:s3+s8], $0x40, s7, s8, $0xb8;
	[tilespmem:$0x13800] =	vst v63  }
0x96: {  	s7 =	sadd.s32 $0x118, s5  }
0x97: {  	[tilespmem:s14], [sflag:$0x1] =	stream.indirect.gather [hbm4b:s3+s8], $0x40, s7, s8, $0xb8;
	[tilespmem:$0x13800] =	vst v63  }
0x98: {  	s7 =	sadd.s32 $0x150, s5  }
0x99: {  	[tilespmem:s15], [sflag:$0x1] =	stream.indirect.gather [hbm4b:s3+s8], $0x40, s7, s8, $0xb8;
	[tilespmem:$0x13800] =	vst v63  }
0x9a: {  	s30 =	simm.s32 @!p0 $0x4;
	s7 =	sadd.s32 $0x188, s5  }
0x9b: {  	[tilespmem:s16], [sflag:$0x1] =	stream.indirect.gather [hbm4b:s3+s8], $0x40, s7, s8, $0xb8;
	[tilespmem:$0x13800] =	vst v63  }
0x9c: {  	_ =	swait.ge @!p0 [sflag:s30], $0x6400  }
0x9d: {  	[sflag:s30] =	ssyncset.done @!p0 $0x0  }
0x9e: {  	s7 =	sadd.s32 $0x1C0, s5;
	[sflag:s30] =	ssyncadd.s32 @!p0 $0xFFFF9C00;
	p0 =	por p2, p2  }
0x9f: {  	[tilespmem:s17], [sflag:$0x2] =	stream.indirect.gather [hbm4b:s3+s8], $0x40, s7, s8, $0xb8;
	[tilespmem:$0x13800] =	vst v63  }
0xa0: {  	s7 =	sadd.s32 $0x1F8, s5  }
0xa1: {  	[tilespmem:s18], [sflag:$0x2] =	stream.indirect.gather [hbm4b:s3+s8], $0x40, s7, s8, $0xb8;
	[tilespmem:$0x13800] =	vst v63  }
0xa2: {  	s7 =	sadd.s32 $0x230, s5  }
0xa3: {  	[tilespmem:s19], [sflag:$0x2] =	stream.indirect.gather [hbm4b:s3+s8], $0x40, s7, s8, $0xb8;
	[tilespmem:$0x13800] =	vst v63  }
0xa4: {  	s7 =	sadd.s32 $0x268, s5  }
0xa5: {  	[tilespmem:s20], [sflag:$0x2] =	stream.indirect.gather [hbm4b:s3+s8], $0x40, s7, s8, $0xb8;
	[tilespmem:$0x13800] =	vst v63  }
0xa6: {  	s7 =	sadd.s32 $0x2A0, s5  }
0xa7: {  	[tilespmem:s21], [sflag:$0x2] =	stream.indirect.gather [hbm4b:s3+s8], $0x40, s7, s8, $0xb8;
	[tilespmem:$0x13800] =	vst v63  }
0xa8: {  	s7 =	sadd.s32 $0x2D8, s5  }
0xa9: {  	[tilespmem:s22], [sflag:$0x2] =	stream.indirect.gather [hbm4b:s3+s8], $0x40, s7, s8, $0xb8;
	[tilespmem:$0x13800] =	vst v63  }
0xaa: {  	s7 =	sadd.s32 $0x310, s5  }
0xab: {  	[tilespmem:s23], [sflag:$0x2] =	stream.indirect.gather [hbm4b:s3+s8], $0x40, s7, s8, $0xb8;
	[tilespmem:$0x13800] =	vst v63  }
0xac: {  	s5 =	sadd.s32 $0x348, s5  }
0xad: {  	[tilespmem:s24], [sflag:$0x2] =	stream.indirect.gather [hbm4b:s3+s8], $0x40, s5, s8, $0xb8;
	[tilespmem:$0x13800] =	vst v63  }
0xae: {  	_ =	swait.ge [sflag:s25], $0xC80  }
0xaf: {  	[sflag:s25] =	ssyncset.done $0x0  }
0xb0: {  	[sflag:s25] =	ssyncadd.s32 $0xFFFFF380  }
0xb1: {  	_ =	swait.ge [sflag:s25], $0xC80  }
0xb2: {  	[sflag:s25] =	ssyncset.done $0x0  }
0xb3: {  	[sflag:s25] =	ssyncadd.s32 $0xFFFFF380  }
0xb4: {  	_ =	swait.ge [sflag:s25], $0xC80  }
0xb5: {  	[sflag:s25] =	ssyncset.done $0x0  }
0xb6: {  	[sflag:s25] =	ssyncadd.s32 $0xFFFFF380  }
0xb7: {  	_ =	swait.ge [sflag:s25], $0xC80  }
0xb8: {  	[sflag:s25] =	ssyncset.done $0x0  }
0xb9: {  	[sflag:s25] =	ssyncadd.s32 $0xFFFFF380  }
0xba: {  	_ =	swait.ge [sflag:s25], $0xC80  }
0xbb: {  	[sflag:s25] =	ssyncset.done $0x0  }
0xbc: {  	[sflag:s25] =	ssyncadd.s32 $0xFFFFF380  }
0xbd: {  	_ =	swait.ge [sflag:s25], $0xC80  }
0xbe: {  	[sflag:s25] =	ssyncset.done $0x0  }
0xbf: {  	[sflag:s25] =	ssyncadd.s32 $0xFFFFF380  }
0xc0: {  	_ =	swait.ge [sflag:s25], $0xC80  }
0xc1: {  	[sflag:s25] =	ssyncset.done $0x0  }
0xc2: {  	[sflag:s25] =	ssyncadd.s32 $0xFFFFF380  }
0xc3: {  	_ =	swait.ge [sflag:s25], $0xC80  }
0xc4: {  	[sflag:s25] =	ssyncset.done $0x0  }
0xc5: {  	[sflag:s25] =	ssyncadd.s32 $0xFFFFF380  }
0xc6: {  	[hbm4b:s1+s26] =	stream.strided.scatter [tilespmem:s9], [sflag:$0x3], $0xC80, s28, s26, $0x38;
	[tilespmem:$0x13800] =	vst v63  }
0xc7: {  	s5 =	sadd.s32 $0x380, s1  }
0xc8: {  	[hbm4b:s5+s26] =	stream.strided.scatter [tilespmem:s10], [sflag:$0x3], $0xC80, s28, s26, $0x38;
	[tilespmem:$0x13800] =	vst v63  }
0xc9: {  	s5 =	sadd.s32 $0x700, s1  }
0xca: {  	[hbm4b:s5+s26] =	stream.strided.scatter [tilespmem:s11], [sflag:$0x3], $0xC80, s28, s26, $0x38;
	[tilespmem:$0x13800] =	vst v63  }
0xcb: {  	s5 =	sadd.s32 $0xA80, s1  }
0xcc: {  	[hbm4b:s5+s26] =	stream.strided.scatter [tilespmem:s12], [sflag:$0x3], $0xC80, s28, s26, $0x38;
	[tilespmem:$0x13800] =	vst v63  }
0xcd: {  	s5 =	sadd.s32 $0xE00, s1  }
0xce: {  	[hbm4b:s5+s26] =	stream.strided.scatter [tilespmem:s13], [sflag:$0x3], $0xC80, s28, s26, $0x38;
	[tilespmem:$0x13800] =	vst v63  }
0xcf: {  	s5 =	sadd.s32 $0x1180, s1  }
0xd0: {  	[hbm4b:s5+s26] =	stream.strided.scatter [tilespmem:s14], [sflag:$0x3], $0xC80, s28, s26, $0x38;
	[tilespmem:$0x13800] =	vst v63  }
0xd1: {  	s5 =	sadd.s32 $0x1500, s1  }
0xd2: {  	[hbm4b:s5+s26] =	stream.strided.scatter [tilespmem:s15], [sflag:$0x3], $0xC80, s28, s26, $0x38;
	[tilespmem:$0x13800] =	vst v63  }
0xd3: {  	s5 =	sadd.s32 $0x1880, s1  }
0xd4: {  	[hbm4b:s5+s26] =	stream.strided.scatter [tilespmem:s16], [sflag:$0x3], $0xC80, s28, s26, $0x38;
	[tilespmem:$0x13800] =	vst v63  }
0xd5: {  	_ =	swait.ge [sflag:s29], $0xC80  }
0xd6: {  	[sflag:s29] =	ssyncset.done $0x0  }
0xd7: {  	[sflag:s29] =	ssyncadd.s32 $0xFFFFF380  }
0xd8: {  	_ =	swait.ge [sflag:s29], $0xC80  }
0xd9: {  	[sflag:s29] =	ssyncset.done $0x0  }
0xda: {  	[sflag:s29] =	ssyncadd.s32 $0xFFFFF380  }
0xdb: {  	_ =	swait.ge [sflag:s29], $0xC80  }
0xdc: {  	[sflag:s29] =	ssyncset.done $0x0  }
0xdd: {  	[sflag:s29] =	ssyncadd.s32 $0xFFFFF380  }
0xde: {  	_ =	swait.ge [sflag:s29], $0xC80  }
0xdf: {  	[sflag:s29] =	ssyncset.done $0x0  }
0xe0: {  	[sflag:s29] =	ssyncadd.s32 $0xFFFFF380  }
0xe1: {  	_ =	swait.ge [sflag:s29], $0xC80  }
0xe2: {  	[sflag:s29] =	ssyncset.done $0x0  }
0xe3: {  	[sflag:s29] =	ssyncadd.s32 $0xFFFFF380  }
0xe4: {  	_ =	swait.ge [sflag:s29], $0xC80  }
0xe5: {  	[sflag:s29] =	ssyncset.done $0x0  }
0xe6: {  	[sflag:s29] =	ssyncadd.s32 $0xFFFFF380  }
0xe7: {  	_ =	swait.ge [sflag:s29], $0xC80  }
0xe8: {  	[sflag:s29] =	ssyncset.done $0x0  }
0xe9: {  	[sflag:s29] =	ssyncadd.s32 $0xFFFFF380  }
0xea: {  	_ =	swait.ge [sflag:s29], $0xC80  }
0xeb: {  	[sflag:s29] =	ssyncset.done $0x0  }
0xec: {  	s5 =	sadd.s32 $0x1C00, s1;
	[sflag:s29] =	ssyncadd.s32 $0xFFFFF380  }
0xed: {  	[hbm4b:s5+s26] =	stream.strided.scatter [tilespmem:s17], [sflag:$0x4], $0xC80, s28, s26, $0x38;
	[tilespmem:$0x13800] =	vst v63  }
0xee: {  	s5 =	sadd.s32 $0x1F80, s1  }
0xef: {  	[hbm4b:s5+s26] =	stream.strided.scatter [tilespmem:s18], [sflag:$0x4], $0xC80, s28, s26, $0x38;
	[tilespmem:$0x13800] =	vst v63  }
0xf0: {  	s5 =	sadd.s32 $0x2300, s1  }
0xf1: {  	[hbm4b:s5+s26] =	stream.strided.scatter [tilespmem:s19], [sflag:$0x4], $0xC80, s28, s26, $0x38;
	[tilespmem:$0x13800] =	vst v63  }
0xf2: {  	s5 =	sadd.s32 $0x2680, s1  }
0xf3: {  	[hbm4b:s5+s26] =	stream.strided.scatter [tilespmem:s20], [sflag:$0x4], $0xC80, s28, s26, $0x38;
	[tilespmem:$0x13800] =	vst v63  }
0xf4: {  	s5 =	sadd.s32 $0x2A00, s1  }
0xf5: {  	[hbm4b:s5+s26] =	stream.strided.scatter [tilespmem:s21], [sflag:$0x4], $0xC80, s28, s26, $0x38;
	[tilespmem:$0x13800] =	vst v63  }
.Ltmp0:
0xf6: {  	s5 =	sadd.s32 $0x2D80, s1;
	(pc) =	sbr.rel @p1 .LBB2_2-.Ltmp0, $4  }
0xf7: {  	[hbm4b:s5+s26] =	stream.strided.scatter [tilespmem:s22], [sflag:$0x4], $0xC80, s28, s26, $0x38;
	[tilespmem:$0x13800] =	vst v63  }
0xf8: {  	s5 =	sadd.s32 $0x3100, s1  }
0xf9: {  	[hbm4b:s5+s26] =	stream.strided.scatter [tilespmem:s23], [sflag:$0x4], $0xC80, s28, s26, $0x38;
	[tilespmem:$0x13800] =	vst v63  }
0xfa: {  	s5 =	sadd.s32 $0x3480, s1;
	s1 =	sadd.s32 $0x3800, s1  }
0xfb: {  	[hbm4b:s5+s26] =	stream.strided.scatter [tilespmem:s24], [sflag:$0x4], $0xC80, s28, s26, $0x38;
	[tilespmem:$0x13800] =	vst v63  }
0xfc: {  	s4 =	simm.s32 @!p0 $0x3  }
0xfd: {  	_ =	swait.ge @!p0 [sflag:s4], $0x6400  }
0xfe: {  	[sflag:s4] =	ssyncset.done @!p0 $0x0  }
0xff: {  	s2 =	sshra.s32 s2, $0x2;
	[sflag:s4] =	ssyncadd.s32 @!p0 $0xFFFF9C00  }
0x100: {  	[tilespmem:s9], [sflag:$0x1] =	stream.indirect.gather [hbm4b:s3+s8], $0x40, s2, s8, $0xb8;
	[tilespmem:$0x13800] =	vst v63  }
0x101: {  	s5 =	sadd.s32 $0x38, s2  }
0x102: {  	[tilespmem:s10], [sflag:$0x1] =	stream.indirect.gather [hbm4b:s3+s8], $0x40, s5, s8, $0xb8;
	[tilespmem:$0x13800] =	vst v63  }
0x103: {  	s7 =	sadd.s32 $0x70, s2  }
0x104: {  	[tilespmem:s11], [sflag:$0x1] =	stream.indirect.gather [hbm4b:s3+s8], $0x40, s7, s8, $0xb8;
	[tilespmem:$0x13800] =	vst v63  }
0x105: {  	s30 =	sadd.s32 $0xA8, s2  }
0x106: {  	[tilespmem:s12], [sflag:$0x1] =	stream.indirect.gather [hbm4b:s3+s8], $0x40, s30, s8, $0xb8;
	[tilespmem:$0x13800] =	vst v63  }
0x107: {  	s5 =	sadd.s32 $0xE0, s2  }
0x108: {  	[tilespmem:s13], [sflag:$0x1] =	stream.indirect.gather [hbm4b:s3+s8], $0x40, s5, s8, $0xb8;
	[tilespmem:$0x13800] =	vst v63  }
0x109: {  	s7 =	sadd.s32 $0x118, s2  }
0x10a: {  	[tilespmem:s14], [sflag:$0x1] =	stream.indirect.gather [hbm4b:s3+s8], $0x40, s7, s8, $0xb8;
	[tilespmem:$0x13800] =	vst v63  }
0x10b: {  	s30 =	sadd.s32 $0x150, s2  }
0x10c: {  	[tilespmem:s15], [sflag:$0x1] =	stream.indirect.gather [hbm4b:s3+s8], $0x40, s30, s8, $0xb8;
	[tilespmem:$0x13800] =	vst v63  }
0x10d: {  	s4 =	simm.s32 @!p0 $0x4;
	s5 =	sadd.s32 $0x188, s2  }
0x10e: {  	[tilespmem:s16], [sflag:$0x1] =	stream.indirect.gather [hbm4b:s3+s8], $0x40, s5, s8, $0xb8;
	[tilespmem:$0x13800] =	vst v63  }
0x10f: {  	_ =	swait.ge @!p0 [sflag:s4], $0x6400  }
0x110: {  	[sflag:s4] =	ssyncset.done @!p0 $0x0  }
0x111: {  	s7 =	sadd.s32 $0x1C0, s2;
	[sflag:s4] =	ssyncadd.s32 @!p0 $0xFFFF9C00  }
0x112: {  	[tilespmem:s17], [sflag:$0x2] =	stream.indirect.gather [hbm4b:s3+s8], $0x40, s7, s8, $0xb8;
	[tilespmem:$0x13800] =	vst v63  }
0x113: {  	s30 =	sadd.s32 $0x1F8, s2  }
0x114: {  	[tilespmem:s18], [sflag:$0x2] =	stream.indirect.gather [hbm4b:s3+s8], $0x40, s30, s8, $0xb8;
	[tilespmem:$0x13800] =	vst v63  }
0x115: {  	s5 =	sadd.s32 $0x230, s2  }
0x116: {  	[tilespmem:s19], [sflag:$0x2] =	stream.indirect.gather [hbm4b:s3+s8], $0x40, s5, s8, $0xb8;
	[tilespmem:$0x13800] =	vst v63  }
0x117: {  	s7 =	sadd.s32 $0x268, s2  }
0x118: {  	[tilespmem:s20], [sflag:$0x2] =	stream.indirect.gather [hbm4b:s3+s8], $0x40, s7, s8, $0xb8;
	[tilespmem:$0x13800] =	vst v63  }
0x119: {  	s30 =	sadd.s32 $0x2A0, s2  }
0x11a: {  	[tilespmem:s21], [sflag:$0x2] =	stream.indirect.gather [hbm4b:s3+s8], $0x40, s30, s8, $0xb8;
	[tilespmem:$0x13800] =	vst v63  }
0x11b: {  	s5 =	sadd.s32 $0x2D8, s2  }
0x11c: {  	[tilespmem:s22], [sflag:$0x2] =	stream.indirect.gather [hbm4b:s3+s8], $0x40, s5, s8, $0xb8;
	[tilespmem:$0x13800] =	vst v63  }
0x11d: {  	s7 =	sadd.s32 $0x310, s2  }
0x11e: {  	[tilespmem:s23], [sflag:$0x2] =	stream.indirect.gather [hbm4b:s3+s8], $0x40, s7, s8, $0xb8;
	[tilespmem:$0x13800] =	vst v63  }
0x11f: {  	s2 =	sadd.s32 $0x348, s2  }
0x120: {  	[tilespmem:s24], [sflag:$0x2] =	stream.indirect.gather [hbm4b:s3+s8], $0x40, s2, s8, $0xb8;
	[tilespmem:$0x13800] =	vst v63  }
0x121: {  	_ =	swait.ge [sflag:s25], $0xC80  }
0x122: {  	[sflag:s25] =	ssyncset.done $0x0  }
0x123: {  	[sflag:s25] =	ssyncadd.s32 $0xFFFFF380  }
0x124: {  	_ =	swait.ge [sflag:s25], $0xC80  }
0x125: {  	[sflag:s25] =	ssyncset.done $0x0  }
0x126: {  	[sflag:s25] =	ssyncadd.s32 $0xFFFFF380  }
0x127: {  	_ =	swait.ge [sflag:s25], $0xC80  }
0x128: {  	[sflag:s25] =	ssyncset.done $0x0  }
0x129: {  	[sflag:s25] =	ssyncadd.s32 $0xFFFFF380  }
0x12a: {  	_ =	swait.ge [sflag:s25], $0xC80  }
0x12b: {  	[sflag:s25] =	ssyncset.done $0x0  }
0x12c: {  	[sflag:s25] =	ssyncadd.s32 $0xFFFFF380  }
0x12d: {  	_ =	swait.ge [sflag:s25], $0xC80  }
0x12e: {  	[sflag:s25] =	ssyncset.done $0x0  }
0x12f: {  	[sflag:s25] =	ssyncadd.s32 $0xFFFFF380  }
0x130: {  	_ =	swait.ge [sflag:s25], $0xC80  }
0x131: {  	[sflag:s25] =	ssyncset.done $0x0  }
0x132: {  	[sflag:s25] =	ssyncadd.s32 $0xFFFFF380  }
0x133: {  	_ =	swait.ge [sflag:s25], $0xC80  }
0x134: {  	[sflag:s25] =	ssyncset.done $0x0  }
0x135: {  	[sflag:s25] =	ssyncadd.s32 $0xFFFFF380  }
0x136: {  	_ =	swait.ge [sflag:s25], $0xC80  }
0x137: {  	[sflag:s25] =	ssyncset.done $0x0  }
0x138: {  	[sflag:s25] =	ssyncadd.s32 $0xFFFFF380  }
0x139: {  	[hbm4b:s1+s26] =	stream.strided.scatter [tilespmem:s9], [sflag:$0x3], $0xC80, s28, s26, $0x38;
	[tilespmem:$0x13800] =	vst v63  }
0x13a: {  	s30 =	sadd.s32 $0x380, s1  }
0x13b: {  	[hbm4b:s30+s26] =	stream.strided.scatter [tilespmem:s10], [sflag:$0x3], $0xC80, s28, s26, $0x38;
	[tilespmem:$0x13800] =	vst v63  }
0x13c: {  	s4 =	sadd.s32 $0x700, s1  }
0x13d: {  	[hbm4b:s4+s26] =	stream.strided.scatter [tilespmem:s11], [sflag:$0x3], $0xC80, s28, s26, $0x38;
	[tilespmem:$0x13800] =	vst v63  }
0x13e: {  	s5 =	sadd.s32 $0xA80, s1  }
0x13f: {  	[hbm4b:s5+s26] =	stream.strided.scatter [tilespmem:s12], [sflag:$0x3], $0xC80, s28, s26, $0x38;
	[tilespmem:$0x13800] =	vst v63  }
0x140: {  	s7 =	sadd.s32 $0xE00, s1  }
0x141: {  	[hbm4b:s7+s26] =	stream.strided.scatter [tilespmem:s13], [sflag:$0x3], $0xC80, s28, s26, $0x38;
	[tilespmem:$0x13800] =	vst v63  }
0x142: {  	s30 =	sadd.s32 $0x1180, s1  }
0x143: {  	[hbm4b:s30+s26] =	stream.strided.scatter [tilespmem:s14], [sflag:$0x3], $0xC80, s28, s26, $0x38;
	[tilespmem:$0x13800] =	vst v63  }
0x144: {  	s4 =	sadd.s32 $0x1500, s1  }
0x145: {  	[hbm4b:s4+s26] =	stream.strided.scatter [tilespmem:s15], [sflag:$0x3], $0xC80, s28, s26, $0x38;
	[tilespmem:$0x13800] =	vst v63  }
0x146: {  	s5 =	sadd.s32 $0x1880, s1  }
0x147: {  	[hbm4b:s5+s26] =	stream.strided.scatter [tilespmem:s16], [sflag:$0x3], $0xC80, s28, s26, $0x38;
	[tilespmem:$0x13800] =	vst v63  }
0x148: {  	_ =	swait.ge [sflag:s29], $0xC80  }
0x149: {  	[sflag:s29] =	ssyncset.done $0x0  }
0x14a: {  	[sflag:s29] =	ssyncadd.s32 $0xFFFFF380  }
0x14b: {  	_ =	swait.ge [sflag:s29], $0xC80  }
0x14c: {  	[sflag:s29] =	ssyncset.done $0x0  }
0x14d: {  	[sflag:s29] =	ssyncadd.s32 $0xFFFFF380  }
0x14e: {  	_ =	swait.ge [sflag:s29], $0xC80  }
0x14f: {  	[sflag:s29] =	ssyncset.done $0x0  }
0x150: {  	[sflag:s29] =	ssyncadd.s32 $0xFFFFF380  }
0x151: {  	_ =	swait.ge [sflag:s29], $0xC80  }
0x152: {  	[sflag:s29] =	ssyncset.done $0x0  }
0x153: {  	[sflag:s29] =	ssyncadd.s32 $0xFFFFF380  }
0x154: {  	_ =	swait.ge [sflag:s29], $0xC80  }
0x155: {  	[sflag:s29] =	ssyncset.done $0x0  }
0x156: {  	[sflag:s29] =	ssyncadd.s32 $0xFFFFF380  }
0x157: {  	_ =	swait.ge [sflag:s29], $0xC80  }
0x158: {  	[sflag:s29] =	ssyncset.done $0x0  }
0x159: {  	[sflag:s29] =	ssyncadd.s32 $0xFFFFF380  }
0x15a: {  	_ =	swait.ge [sflag:s29], $0xC80  }
0x15b: {  	[sflag:s29] =	ssyncset.done $0x0  }
0x15c: {  	[sflag:s29] =	ssyncadd.s32 $0xFFFFF380  }
0x15d: {  	_ =	swait.ge [sflag:s29], $0xC80  }
0x15e: {  	[sflag:s29] =	ssyncset.done $0x0  }
0x15f: {  	s7 =	sadd.s32 $0x1C00, s1;
	[sflag:s29] =	ssyncadd.s32 $0xFFFFF380  }
0x160: {  	[hbm4b:s7+s26] =	stream.strided.scatter [tilespmem:s17], [sflag:$0x4], $0xC80, s28, s26, $0x38;
	[tilespmem:$0x13800] =	vst v63  }
0x161: {  	s30 =	sadd.s32 $0x1F80, s1  }
0x162: {  	[hbm4b:s30+s26] =	stream.strided.scatter [tilespmem:s18], [sflag:$0x4], $0xC80, s28, s26, $0x38;
	[tilespmem:$0x13800] =	vst v63  }
0x163: {  	s4 =	sadd.s32 $0x2300, s1  }
0x164: {  	[hbm4b:s4+s26] =	stream.strided.scatter [tilespmem:s19], [sflag:$0x4], $0xC80, s28, s26, $0x38;
	[tilespmem:$0x13800] =	vst v63  }
0x165: {  	s5 =	sadd.s32 $0x2680, s1  }
0x166: {  	[hbm4b:s5+s26] =	stream.strided.scatter [tilespmem:s20], [sflag:$0x4], $0xC80, s28, s26, $0x38;
	[tilespmem:$0x13800] =	vst v63  }
0x167: {  	s7 =	sadd.s32 $0x2A00, s1  }
0x168: {  	[hbm4b:s7+s26] =	stream.strided.scatter [tilespmem:s21], [sflag:$0x4], $0xC80, s28, s26, $0x38;
	[tilespmem:$0x13800] =	vst v63  }
0x169: {  	s30 =	sadd.s32 $0x2D80, s1  }
0x16a: {  	[hbm4b:s30+s26] =	stream.strided.scatter [tilespmem:s22], [sflag:$0x4], $0xC80, s28, s26, $0x38;
	[tilespmem:$0x13800] =	vst v63  }
0x16b: {  	s4 =	sadd.s32 $0x3100, s1  }
0x16c: {  	[hbm4b:s4+s26] =	stream.strided.scatter [tilespmem:s23], [sflag:$0x4], $0xC80, s28, s26, $0x38;
	[tilespmem:$0x13800] =	vst v63  }
0x16d: {  	s5 =	sadd.s32 $0x3480, s1;
	s7 =	simm.s32 $0x3  }
0x16e: {  	[hbm4b:s5+s26] =	stream.strided.scatter [tilespmem:s24], [sflag:$0x4], $0xC80, s28, s26, $0x38;
	[tilespmem:$0x13800] =	vst v63  }
0x16f: {  	_ =	swait.ge [sflag:s7], $0x6400  }
0x170: {  	[sflag:s7] =	ssyncset.done $0x0  }
0x171: {  	[sflag:s7] =	ssyncadd.s32 $0xFFFF9C00  }
0x172: {  	_ =	swait.ge [sflag:s31], $0x6400  }
0x173: {  	s0 =	sadd.s32 $0x1, s0;
	s30 =	rddreg [dreg:$0x4]  }
0x174: {  	p0 =	sne.s32 s0, s30  }
.Ltmp1:
0x175: {  	_ = 	snop;
	(pc) =	sbr.rel @p0 .LBB2_1-.Ltmp1, $3  }
0x176: {  	_ =	sdelay $0x1  }
0x177: {  	[sflag:s31] =	ssyncset.done $0x0  }
0x178: {  	[sflag:s31] =	ssyncadd.s32 $0xFFFF9C00  }
0x179: {  	_ =	sfence.sel $0x180000  }
0x17a: {  	[bflag:$0x0] =	sbarrier.arrive $0xFFFF  }
0x17b: {  	_ =	strace $0x90000047  }
0x17c: {  	s0 =	stileid.u32;
	[bflag:$0x2] =	sbarrier.arrive $0xFFFF  }
0x17d: {  	p0 =	sne.s32 s0, $0x0;
	s0 =	rddreg [dreg:$0x2]  }
0x17e: {  	s0 =	sadd.s32 @!p0 $0x100000, s0  }
0x17f: {  	[sflag:s0] =	ssyncadd.tile.s32 @!p0 $0x1;
	_ =	shalt  }
.Lfunc_end2:
_tile_overlayer_lowered:
.L_overlay_start_2:
0x180: {  	(tag) =	ssettag $0x2  }
0x181: {  	s0 =	rddreg [dreg:$0x0];
	s2 =	stileid.u32  }
0x182: {  	s1 =	rddreg [dreg:$0x1];
	p0 =	sne.s32 s2, $0x0  }
0x183: {  	s3 =	rddreg [dreg:$0x2];
	[bflag:$0x3] =	sbarrier.arrive $0xFFFF;
	s2 =	simm.s32 @!p0 $0x1C05  }
0x184: {  	[timem:s3], [sflag:s2] =	dma.local @!p0 [hbm:s0], s1  }
0x185: {  	s0 =	simm.s32 @!p0 $0x5  }
0x186: {  	_ =	swait.ge @!p0 [sflag:s0], s1  }
0x187: {  	s1 =	ssub.s32 @!p0 $0x0, s1;
	[sflag:s0] =	ssyncset.done @!p0 $0x0  }
0x188: {  	[sflag:s0] =	ssyncadd.s32 @!p0 s1  }
0x189: {  	[bflag:$0x3] =	sbarrier.arrive $0xFFFF  }
0x18a: {  	_ =	shalt  }

// kernel: sparse-core-data-format-call.cloned.1.call-start
scs
called_computation_lowered:
.L_overlay_start_0:
0x0: {  	s2 =	sld [smem:$0x3FD9]  }
0x1: {  	s3 =	sld [smem:$0x3FFE];
	_ =	sdelay $0x1  }
0x2: {  	s1 =	srdreg.scid  }
0x3: {  	s0 =	sand.u32 $0x1, s1  }
0x4: {  	s18 =	sshll.u32 s0, $0xA;
	s2 =	sadd.s32 s3, s2  }
0x5: {  	s2 =	sadd.s32 s2, s18  }
0x6: {  	[smem:$0x3FC6] =	sst s2  }
0x7: {  	_ = 	snop  }
0x8: {  	s2 =	sld [smem:$0x3FD0];
	(tm) =	ssettm $0x1  }
0x9: {  	s19 =	sld [smem:$0x3FFB];
	_ =	sdelay $0x3  }
0xa: {  	_ =	strace s19  }
0xb: {  	s3 =	sld [smem:$0x3FFC];
	_ =	sdelay $0x3  }
0xc: {  	_ =	strace s3  }
0xd: {  	s3 =	sld [smem:$0x3FFD];
	_ =	sdelay $0x3  }
0xe: {  	_ =	strace s3  }
0xf: {  	_ =	strace $0x8FFFFFFF  }
0x10: {  	s20 =	sld [smem:$0x3FDB];
	_ =	sdelay $0x1  }
0x11: {  	s4 =	simm.s32 $_scs_section_size  }
0x12: {  	s5 =	simm.s32 $_size__tile_overlayer_lowered;
	s6 =	simm.s32 $_tile_overlayer_lowered  }
0x13: {  	s23 =	simm.s32 $0x1BFF;
	s22 =	sshll.u32 s6, $0x1;
	s3 =	sadd.s32 s4, s20  }
0x14: {  	s7 =	simm.s32 $0x0;
	s21 =	sshll.u32 s5, $0x1;
	s5 =	sadd.s32 s22, s3  }
0x15: {  	[timem:s7], [sflag:s23] =	dma.local [hbm:s5], s21  }
0x16: {  	_ =	swait.ge [sflag:s23], s21  }
0x17: {  	s4 =	ssub.s32 $0x0, s21;
	[sflag:s23] =	ssyncset.done $0x0  }
0x18: {  	[sflag:s23] =	ssyncadd.s32 s4;
	_ =	sdelay $0x1  }
0x19: {  	s24 =	simm.s32 $0x1B8B  }
0x1a: {  	_ =	swait.ge [sflag:s24], $0x1  }
0x1b: {  	[sflag:s24] =	ssyncset.done $0x0  }
0x1c: {  	s26 =	simm.s32 $0x1B8E;
	s25 =	sld [smem:$0x3FFE];
	[sflag:s24] =	ssyncadd.s32 $0xFFFFFFFF  }
0x1d: {  	s27 =	simm.s32 $execute0_lowered;
	[smem:$0x3FD2] =	sst s26  }
0x1e: {  	s5 =	sshll.u32 s27, $0x1;
	_ =	strace $0x80000049;
	[dreg:$0x1] =	wrdreg $0xFFFFFFFF  }
0x1f: {  	s28 =	simm.s32 $_size_execute0_lowered;
	s3 =	sadd.s32 s3, s5;
	[dreg:$0x0] =	wrdreg $0x0  }
0x20: {  	s5 =	sshll.u32 s28, $0x1;
	[dreg:$0x2] =	wrdreg s3  }
0x21: {  	[dreg:$0x3] =	wrdreg s5  }
0x22: {  	[dreg:$0x4] =	wrdreg $0xC0  }
0x23: {  	_ =	task [dreg:s7], $0x5FFFF  }
0x24: {  	[dreg:$0x1] =	wrdreg $0xFFFFFFFF  }
0x25: {  	[dreg:$0x0] =	wrdreg $0x60  }
0x26: {  	[dreg:$0x2] =	wrdreg s25  }
0x27: {  	[dreg:$0x3] =	wrdreg s2  }
0x28: {  	[dreg:$0x4] =	wrdreg $0x9  }
0x29: {  	_ =	task.clear_ibuf [dreg:s7], $0x5FFFF;
	_ =	strace $0x90000049  }
0x2a: {  	s29 =	simm.s32 $0x9;
	_ =	strace $0x8000004B  }
0x2b: {  	_ =	swait.ge [sflag:s29], $0x1  }
0x2c: {  	[sflag:s29] =	ssyncadd.s32 $0xFFFFFFFF  }
0x2d: {  	_ =	strace $0x9000004B  }
0x2e: {  	_ =	sfence  }
0x2f: {  	s30 =	sld [smem:$0x0];
	_ =	sdelay $0x2  }
0x30: {  	s31 =	sshll.u32 s1, $0xD;
	s1 =	sshrl.u32 s1, $0x2  }
0x31: {  	s3 =	sand.u32 $0x4000, s31;
	s1 =	sadd.s32 s1, s30  }
0x32: {  	s0 =	sor.u32 s3, s0;
	s1 =	sshll.u32 s1, $0x11  }
0x33: {  	s0 =	sor.u32 s1, s0  }
0x34: {  	s0 =	sadd.s32 $0x8F2B, s0  }
0x35: {  	[sflag:s0] =	ssyncadd.remote.s32 $0x1  }
0x36: {  	_ =	sfence.sel $0xFFFF  }
0x37: {  	[dreg:$0x0] =	wrdreg $0xFFFFFFFF;
	(pc) =	sbr.abs _section_cstart, $3  }
0x38: {  	[dreg:$0x1] =	wrdreg $0xFFFFFFFF  }
0x39: {  	_ =	task.clear_ibuf [dreg:s7], $0x2FFFF;
	_ =	strace $0x9FFFFFFF  }
0x3a: {  	(tm) =	ssettm $0x7FFFFFFF  }
0x3b: {  	_ =	shalt  }
tec
execute0_lowered:
.L_overlay_start_1:
0x0: {  	(tag) =	ssettag $0x1  }
0x1: {  	s0 =	srdreg.scid  }
0x2: {  	s1 =	sshll.u32 s0, $0x4  }
0x3: {  	s0 =	stileid.u32;
	s1 =	sand.u32 $0x10, s1  }
0x4: {  	s1 =	sor.u32 s0, s1  }
0x5: {  	s6 =	rddreg [dreg:$0x0];
	s4 =	simm.s32 $0x1;
	s2 =	sshll.u32 s1, $0x7  }
0x6: {  	s7 =	simm.s32 $0x2;
	s12 =	simm.s32 $0x0;
	s1 =	ssub.s32 $0x4000, s2  }
0x7: {  	s8 =	simm.s32 $0x20000;
	s13 =	simm.s32 $0x0;
	s3 =	sand.u32 $0xF80, s1  }
0x8: {  	s9 =	simm.s32 $0x0;
	s5 =	sshrl.u32 s1, $0xC;
	p0 =	sne.s32 s3, $0x0  }
.Ltmp0:
0x9: {  	s1 =	rddreg [dreg:$0x2];
	s4 =	simm.s32 @!p0 $0x0;
	(pc) =	sbr.rel .LBB1_1-.Ltmp0, $4  }
0xa: {  	s11 =	simm.s32 $0x0;
	s3 =	rddreg [dreg:$0x1];
	s5 =	sadd.s32 s4, s5  }
0xb: {  	_ =	strace $0x8000004A;
	s4 =	simm.s32 $0x1;
	s5 =	smul.u32 $0x32, s5  }
0xc: {  	s6 =	sadd.s32 $0xA00, s6;
	s10 =	smov.u32 s2;
	[sflag:s4] =	ssyncpa.u1 $0x0  }
0xd: {  	p0 =	por $0x0, $0x0;
	[sflag:s7] =	ssyncpa.u1 $0x0;
	s7 =	sor.u32 $0x1, s5  }
.LBB1_4:
0xe: {  	s16 =	sshll.u32 s13, $0x3;
	s17 =	sand.u32 $0x78, s13  }
0xf: {  	s30 =	sand.u32 $0x1F800, s13;
	s12 =	sshll.u32 s12, $0x11;
	s16 =	sand.u32 $0x3C00, s16  }
0x10: {  	[tilespmem:s15+$0x810 ss:$0x81] =	vst.msk $0xffff, v2;
	s31 =	sand.u32 $0x7, s13;
	s16 =	sor.u32 s17, s16;
	s17 =	sadd.s32 s3, s30  }
0x11: {  	[tilespmem:s15+$0x1020 ss:$0x81] =	vst.msk $0xffff, v0;
	s13 =	sshll.u32 s31, $0x12;
	s12 =	sadd.s32 s12, s17;
	s16 =	sshrl.u32 s16, $0x3  }
0x12: {  	[tilespmem:s15+$0x0 ss:$0x81] =	vst.msk $0xffff, v1;
	s13 =	sor.u32 $0x400, s13;
	s12 =	sadd.s32 s16, s12  }
0x13: {  	[hbm4b:s12+s13] =	stream.strided.scatter [tilespmem:s14], [sflag:$0x2], $0x2000, s8, s13, $0x20;
	[tilespmem:$0x8080] =	vst v63  }
.LBB1_5:
0x14: {  	s14 =	sadd.s32 $0x1, s9  }
0x15: {  	s12 =	sadd.s32 $0x1000, s10;
	s16 =	smov.u32 s10;
	p2 =	sgt.s32 s14, $0x31  }
0x16: {  	s16 =	smov.u32 @p2 s12  }
0x17: {  	s14 =	simm.s32 @p2 $0x0;
	p2 =	sgt.s32 s16, $0x3FFF  }
0x18: {  	s16 =	smov.u32 @p2 s2;
	p2 =	sne.s32 s11, s7  }
.Ltmp1:
0x19: {  	p1 =	slt.u32 s11, $0x2;
	(pc) =	sbr.rel @!p2 .LBB1_6-.Ltmp1, $4  }
0x1a: {  	s15 =	simm.s32 @!p1 $0x2  }
0x1b: {  	s13 =	smov.u32 s10;
	p0 =	por !p0, !p0;
	_ =	swait.ge @!p1 [sflag:s15], $0x2000  }
0x1c: {  	s12 =	smov.u32 s9;
	[sflag:s15] =	ssyncset.done @!p1 $0x0;
	s9 =	smov.u32 s14  }
0x1d: {  	s11 =	sadd.s32 $0x1, s11;
	[sflag:s15] =	ssyncadd.s32 @!p1 $0xFFFFE000;
	s10 =	smov.u32 s16  }
.LBB1_1:
0x1e: {  	p1 =	sge.u32 s11, s5  }
0x1f: {  	s14 =	sand.u32 @!p1 $0x1FFFFFF, s9  }
0x20: {  	s15 =	smulhi.u32 @!p1 $0x4924925, s14;
	_ =	sdelay $0x1  }
0x21: {  	s15 =	smul.u32 @!p1 $0x38, s15  }
0x22: {  	s16 =	sxor.u32 @!p1 $0xFFFFFFFF, s11;
	s17 =	smul.u32 @!p1 $0x380, s10  }
0x23: {  	s31 =	sadd.s32 $0xFFFFFFFF, s11;
	s16 =	sshll.u32 @!p1 s16, $0xD;
	s14 =	ssub.s32 @!p1 s14, s15  }
0x24: {  	s15 =	sand.u32 @!p1 $0x2000, s16;
	s16 =	sadd.s32 @!p1 s6, s17;
	s14 =	sshll.u32 @!p1 s14, $0x4  }
0x25: {  	s17 =	simm.s32 @!p1 $0x1C00;
	s14 =	sadd.s32 @!p1 s14, s16;
	s16 =	simm.s32 @!p1 $0x40  }
0x26: {  	[tilespmem:s15], [sflag:$0x1] =	stream.strided.gather @!p1 [hbm4b:s14+s16], $0x2000, s17, s16, $0x38;
	[tilespmem:$0x8080] =	vst v63  }
0x27: {  	p1 =	sge.u32 s31, s5  }
.Ltmp2:
0x28: {  	_ = 	snop;
	(pc) =	sbr.rel @p1 .LBB1_5-.Ltmp2, $1  }
0x29: {  	_ =	sdelay $0x3  }
0x2a: {  	s14 =	simm.s32 $0x1  }
0x2b: {  	_ =	swait.ge [sflag:s4], $0x2000;
	s14 =	simm.s32 @!p0 $0x0  }
0x2c: {  	[sflag:s4] =	ssyncset.done $0x0;
	s15 =	sshll.u32 s14, $0xD  }
0x2d: {  	[sflag:s4] =	ssyncadd.s32 $0xFFFFE000;
	s18 =	sor.u32 $0x20, s15  }
0x2e: {  	s14 =	smul.u32 $0x8100, s14;
	v3 =	vld [tilespmem:s18+$0x10]  }
0x2f: {  	s30 =	sand.u32 $0x1, s11;
	v2 =	vld [tilespmem:s18+$0xFFFFFFF0]  }
0x30: {  	s15 =	smul.u32 $0x8100, s30;
	s14 =	sshrl.u32 s14, $0x2;
	v0 =	vld [tilespmem:s18+$0x0]  }
0x31: {  	v1 =	vld [tilespmem:s18+$0xFFFFFFE0];
	s16 =	sor.u32 $0x4000, s14  }
0x32: {  	s31 =	sshrl.u32 s15, $0x2;
	s15 =	sadd.s32 $0x0, s16  }
0x33: {  	s17 =	simm.s32 $0x4;
	s18 =	sadd.s32 $0x40, s18;
	s14 =	sor.u32 $0x4000, s31;
	[tilespmem:s15+$0x1830 ss:$0x81] =	vst.msk $0xffff, v3  }
.LBB1_3:
0x34: {  	v3 =	vld [tilespmem:s18+$0x10];
	p1 =	sne.s32 s17, $0x1FC;
	[tilespmem:s15+$0x810 ss:$0x81] =	vst.msk $0xffff, v2;
	s19 =	smov.u32 s17;
	s17 =	sadd.s32 $0x4, s17  }
.Ltmp3:
0x35: {  	v2 =	vld [tilespmem:s18+$0xFFFFFFF0];
	[tilespmem:s15+$0x1020 ss:$0x81] =	vst.msk $0xffff, v0;
	(pc) =	sbr.rel @p1 .LBB1_3-.Ltmp3, $4  }
0x36: {  	v0 =	vld [tilespmem:s18+$0x0];
	[tilespmem:s15+$0x0 ss:$0x81] =	vst.msk $0xffff, v1  }
0x37: {  	s15 =	sshra.s32 s19, $0x2;
	v1 =	vld [tilespmem:s18+$0xFFFFFFE0]  }
0x38: {  	s15 =	sadd.s32 s15, s16  }
0x39: {  	s18 =	sadd.s32 $0x40, s18;
	[tilespmem:s15+$0x1830 ss:$0x81] =	vst.msk $0xffff, v3  }
.Ltmp4:
0x3a: {  	_ = 	snop;
	(pc) =	sbr.rel .LBB1_4-.Ltmp4, $1  }
0x3b: {  	_ =	sdelay $0x3  }
.LBB1_6:
0x3c: {  	_ =	sfence.sel $0x180000  }
0x3d: {  	s2 =	simm.s32 $0x1;
	[bflag:$0x0] =	sbarrier.arrive $0xFFFF  }
0x3e: {  	s31 =	simm.s32 $0x2;
	[sflag:s2] =	ssyncpa.u1 $0x1  }
0x3f: {  	[sflag:s31] =	ssyncpa.u1 $0x1  }
0x40: {  	p0 =	sne.s32 s0, $0x0;
	_ =	strace $0x9000004A  }
0x41: {  	s0 =	sadd.s32 @!p0 $0x100000, s1;
	[bflag:$0x2] =	sbarrier.arrive $0xFFFF  }
0x42: {  	[sflag:s0] =	ssyncadd.tile.s32 @!p0 $0x1;
	_ =	shalt  }
.Lfunc_end1:
_tile_overlayer_lowered:
.L_overlay_start_2:
0x43: {  	(tag) =	ssettag $0x2  }
0x44: {  	s0 =	rddreg [dreg:$0x0];
	s2 =	stileid.u32  }
0x45: {  	s1 =	rddreg [dreg:$0x1];
	p0 =	sne.s32 s2, $0x0  }
0x46: {  	s3 =	rddreg [dreg:$0x2];
	[bflag:$0x3] =	sbarrier.arrive $0xFFFF;
	s2 =	simm.s32 @!p0 $0x1C01  }
0x47: {  	[timem:s3], [sflag:s2] =	dma.local @!p0 [hbm:s0], s1  }
0x48: {  	s0 =	simm.s32 @!p0 $0x1  }
0x49: {  	_ =	swait.ge @!p0 [sflag:s0], s1  }
0x4a: {  	s1 =	ssub.s32 @!p0 $0x0, s1;
	[sflag:s0] =	ssyncset.done @!p0 $0x0  }
0x4b: {  	[sflag:s0] =	ssyncadd.s32 @!p0 s1  }
0x4c: {  	[bflag:$0x3] =	sbarrier.arrive $0xFFFF  }
0x4d: {  	_ =	shalt  }

</sc_bundles>
